<compile_context>
chip_gen: v7x
topology: tpu7x:2x2x1
jax: 0.10.2.dev20260603
libtpu: 0.0.44.dev20260713+nightly
codegen_flags: <defaults>
</compile_context>

<pallas_src>
import functools

import jax
import jax.numpy as jnp
from jax import lax
from jax.experimental import pallas as pl
from jax.experimental.pallas import tpu as pltpu
from jax.experimental.pallas import tpu_sc as plsc

_CA = 160
_B = 1024
_N = 50
_NH = 25
_CW = 40
_NG = _B // 16


def _make_sc_call(layers):
    nl = len(layers)
    wpl = 32 // nl
    assert wpl == 8, "this mapping assumes 8 workers per layer"
    mesh = plsc.VectorSubcoreMesh(core_axis_name="c", subcore_axis_name="s")
    shp = jax.ShapeDtypeStruct((_N, _CA, _B), jnp.float32)

    def body(idx_hbm, diag_hbm, zeros_hbm, *refs):
        outs = refs[:nl]
        idx_v, diag_v, buf0, buf1, sem0, sem1 = refs[nl:]
        bufs = (buf0, buf1)
        sems = (sem0, sem1)
        w = lax.axis_index("s") * 2 + lax.axis_index("c")
        iota = lax.iota(jnp.int32, 16)
        zeros16 = jnp.zeros((16,), jnp.float32)
        z16 = jnp.zeros((16,), jnp.int32)

        for k in range(nl):
            li = layers[k]

            @pl.when(w // 8 == k)
            def _layer():
                r = w % 8
                n0 = (r // 4) * _NH
                c0 = (r % 4) * _CW
                pltpu.sync_copy(
                    idx_hbm.at[pl.ds((li * _N + n0) * _B, _NH * _B)], idx_v)
                pltpu.sync_copy(diag_hbm, diag_v)
                pltpu.sync_copy(zeros_hbm, buf0)
                pltpu.sync_copy(zeros_hbm, buf1)

                def dma(ci, buf, sem):
                    dst = outs[k].at[pl.ds(n0 + ci, 1), pl.ds(c0, _CW), :]
                    return pltpu.make_async_copy(buf, dst, sem)

                def fill(ci, buf, restore_ci):
                    def grp(g, _):
                        bvec = iota + g * 16
                        if restore_ci is not None:
                            ov = idx_v[pl.ds(restore_ci * _B + g * 16, 16)]
                            ocv = ov - c0
                            om = (ocv >= 0) & (ocv < _CW)
                            plsc.store_scatter(buf, [z16, ocv, bvec],
                                               zeros16, mask=om)
                        idxvec = idx_v[pl.ds(ci * _B + g * 16, 16)]
                        cv = idxvec - c0
                        m = (cv >= 0) & (cv < _CW)
                        vals = plsc.load_gather(diag_v, [idxvec], mask=m)
                        plsc.store_scatter(buf, [z16, cv, bvec], vals, mask=m)
                        return 0
                    lax.fori_loop(0, _NG, grp, 0)

                for b in range(2):
                    fill(b, bufs[b], None)
                    dma(b, bufs[b], sems[b]).start()

                def pair(gg, _):
                    for b in range(2):
                        ci = gg * 2 + b
                        dma(ci - 2, bufs[b], sems[b]).wait()
                        fill(ci, bufs[b], ci - 2)
                        dma(ci, bufs[b], sems[b]).start()
                    return 0
                lax.fori_loop(1, 12, pair, 0)

                dma(22, bufs[0], sems[0]).wait()
                fill(24, bufs[0], 22)
                dma(24, bufs[0], sems[0]).start()
                dma(23, bufs[1], sems[1]).wait()
                dma(24, bufs[0], sems[0]).wait()

    return functools.partial(
        pl.kernel,
        mesh=mesh,
        compiler_params=pltpu.CompilerParams(needs_layout_passes=False),
        out_type=[shp] * nl,
        scratch_types=[
            pltpu.VMEM((_NH * _B,), jnp.int32),
            pltpu.VMEM((_CA,), jnp.float32),
            pltpu.VMEM((1, _CW, _B), jnp.float32),
            pltpu.VMEM((1, _CW, _B), jnp.float32),
            pltpu.SemaphoreType.DMA,
            pltpu.SemaphoreType.DMA,
        ])(body)


def kernel(nei_rel_list, one_hot):
    idx_t = jnp.swapaxes(nei_rel_list, 1, 2)
    idx_flat = idx_t.reshape(-1)
    diag = jnp.diagonal(one_hot)
    zeros = jnp.zeros((1, _CW, _B), jnp.float32)
    outs = _make_sc_call((0, 1, 2, 3))(idx_flat, diag, zeros)
    return tuple(jnp.transpose(t, (2, 0, 1)) for t in outs)

# --- scband reference (transcript-rebuilt; emitter-appended) ---
"""Pipeline reference for scband-edge-embedding-9122510537212 (READ-ONLY COPY).

The authoritative reference and input builder live on the scoring server;
editing this copy changes nothing except your own understanding.
"""

import jax, jax.numpy as jnp
import numpy as np

SIM_CLASS = 64
MD_CLASS = 32
CLASS_ALL = SIM_CLASS + SIM_CLASS + MD_CLASS  # 160
NEI_SIZE = 50
L = 4
B = 1024


def setup_inputs(seed: int = 0) -> dict:
    key = jax.random.key(seed)
    nei_rel_list = jax.random.randint(key, (L, B, NEI_SIZE), 0, CLASS_ALL, dtype=jnp.int32)
    # buffer built in __init__: one_hot(arange(class_all)) == identity matrix
    one_hot = jnp.eye(CLASS_ALL, dtype=jnp.float32)
    return {"nei_rel_list": nei_rel_list, "one_hot": one_hot}


def reference(nei_rel_list, one_hot):
    # faithful translation: iterate over the list of relation tensors,
    # flatten, index_select rows of the one-hot table, reshape back
    batch_size = nei_rel_list[0].shape[0]
    neirel_emb_list = []
    for index in range(nei_rel_list.shape[0]):
        nei_relation = nei_rel_list[index]
        nei_relation = jnp.reshape(nei_relation, (-1,))
        nei_rel_emb = jnp.take(one_hot, nei_relation, axis=0)
        neirel_emb_list.append(jnp.reshape(nei_rel_emb, (batch_size, -1, one_hot.shape[1])))
    return tuple(neirel_emb_list)

if __name__ == "__main__":
    import jax
    _d = setup_inputs()
    print(jax.jit(kernel)(*tuple(_d.values())))

</pallas_src>

<mosaic_0001>
#map = affine_map<(d0, d1) -> (0)>
#map1 = affine_map<(d0, d1) -> (0, 0, 0)>
module attributes {stable_mosaic.version = 14 : i64} {
  func.func @body(%arg0: i32, %arg1: i32, %arg2: memref<204800xi32, #tpu.memory_space<hbm>>, %arg3: memref<160xf32, #tpu.memory_space<hbm>>, %arg4: memref<1x40x1024xf32, #tpu.memory_space<hbm>>, %arg5: memref<50x160x1024xf32, #tpu.memory_space<hbm>>, %arg6: memref<50x160x1024xf32, #tpu.memory_space<hbm>>, %arg7: memref<50x160x1024xf32, #tpu.memory_space<hbm>>, %arg8: memref<50x160x1024xf32, #tpu.memory_space<hbm>>, %arg9: memref<25600xi32, #tpu.memory_space<vmem>>, %arg10: memref<160xf32, #tpu.memory_space<vmem>>, %arg11: memref<1x40x1024xf32, #tpu.memory_space<vmem>>, %arg12: memref<1x40x1024xf32, #tpu.memory_space<vmem>>, %arg13: memref<!tpu.dma_semaphore, #tpu.memory_space<semaphore_mem>>, %arg14: memref<!tpu.dma_semaphore, #tpu.memory_space<semaphore_mem>>) attributes {dimension_semantics = [#tpu.dimension_semantics<core_parallel>, #tpu.dimension_semantics<subcore_parallel>], iteration_bounds = array<i64: 2, 16>, scalar_prefetch = 0 : i64, scratch_operands = 6 : i64, tpu.core_type = #tpu.core_type<sc_vector_subcore>, window_params = [{transform_indices = #map}, {transform_indices = #map}, {transform_indices = #map1}, {transform_indices = #map1}, {transform_indices = #map1}, {transform_indices = #map1}, {transform_indices = #map1}]} {
    %mul3A = arith.constant 2 : i32
    %mul3A_0 = arith.muli %arg1, %mul3A : i32
    %add3A = arith.addi %mul3A_0, %arg0 : i32
    %iota3A = tpu.iota {dimensions = array<i32: 0>} : vector<16xi32>
    %broadcast_in_dim3A = arith.constant 0.000000e+00 : f32
    %broadcast_in_dim3A_1 = vector.broadcast %broadcast_in_dim3A : f32 to vector<16xf32>
    %broadcast_in_dim3A_2 = arith.constant 0 : i32
    %broadcast_in_dim3A_3 = vector.broadcast %broadcast_in_dim3A_2 : i32 to vector<16xi32>
    %jit3A = arith.constant 8 : i32
    %div3A = arith.divsi %add3A, %jit3A : i32
    %sign3A = arith.constant 0 : i32
    %sign3A_4 = arith.cmpi sgt, %add3A, %sign3A : i32
    %sign3A_5 = arith.extui %sign3A_4 : i1 to i32
    %sign3A_6 = arith.constant 0 : i32
    %sign3A_7 = arith.cmpi slt, %add3A, %sign3A_6 : i32
    %sign3A_8 = arith.extui %sign3A_7 : i1 to i32
    %sign3A_9 = arith.subi %sign3A_5, %sign3A_8 : i32
    %sign3A_10 = arith.constant 0 : i32
    %sign3A_11 = arith.cmpi sgt, %jit3A, %sign3A_10 : i32
    %sign3A_12 = arith.extui %sign3A_11 : i1 to i32
    %sign3A_13 = arith.constant 0 : i32
    %sign3A_14 = arith.cmpi slt, %jit3A, %sign3A_13 : i32
    %sign3A_15 = arith.extui %sign3A_14 : i1 to i32
    %sign3A_16 = arith.subi %sign3A_12, %sign3A_15 : i32
    %ne3A = arith.cmpi ne, %sign3A_9, %sign3A_16 : i32
    %rem3A = arith.remsi %add3A, %jit3A : i32
    %ne3A_17 = arith.constant 0 : i32
    %ne3A_18 = arith.cmpi ne, %rem3A, %ne3A_17 : i32
    %and3A = arith.andi %ne3A, %ne3A_18 : i1
    %sub3A = arith.constant 1 : i32
    %sub3A_19 = arith.subi %div3A, %sub3A : i32
    %select_n3A = arith.select %and3A, %sub3A_19, %div3A : i32
    %eq3A = arith.constant 0 : i32
    %eq3A_20 = arith.cmpi eq, %select_n3A, %eq3A : i32
    %convert_element_type3A = arith.extui %eq3A_20 : i1 to i32
    %cond3A = arith.constant 0 : i32
    %cond3A_21 = arith.cmpi ne, %convert_element_type3A, %cond3A : i32
    scf.if %cond3A_21 {
      %jit3A_109 = arith.constant 8 : i32
      %eq3A_110 = arith.constant 0 : i32
      %eq3A_111 = arith.cmpi eq, %jit3A_109, %eq3A_110 : i32
      %jit3A_112 = arith.constant 1 : i32
      %select_n3A_113 = arith.select %eq3A_111, %jit3A_112, %jit3A_109 : i32
      %rem3A_114 = arith.remsi %add3A, %select_n3A_113 : i32
      %ne3A_115 = arith.constant 0 : i32
      %ne3A_116 = arith.cmpi ne, %rem3A_114, %ne3A_115 : i32
      %lt3A = arith.constant 0 : i32
      %lt3A_117 = arith.cmpi slt, %rem3A_114, %lt3A : i32
      %lt3A_118 = arith.constant 0 : i32
      %lt3A_119 = arith.cmpi slt, %select_n3A_113, %lt3A_118 : i32
      %ne3A_120 = arith.xori %lt3A_117, %lt3A_119 : i1
      %and3A_121 = arith.andi %ne3A_120, %ne3A_116 : i1
      %add3A_122 = arith.addi %rem3A_114, %select_n3A_113 : i32
      %select_n3A_123 = arith.select %and3A_121, %add3A_122, %rem3A_114 : i32
      %jit3A_124 = arith.constant 4 : i32
      %div3A_125 = arith.divsi %select_n3A_123, %jit3A_124 : i32
      %sign3A_126 = arith.constant 0 : i32
      %sign3A_127 = arith.cmpi sgt, %select_n3A_123, %sign3A_126 : i32
      %sign3A_128 = arith.extui %sign3A_127 : i1 to i32
      %sign3A_129 = arith.constant 0 : i32
      %sign3A_130 = arith.cmpi slt, %select_n3A_123, %sign3A_129 : i32
      %sign3A_131 = arith.extui %sign3A_130 : i1 to i32
      %sign3A_132 = arith.subi %sign3A_128, %sign3A_131 : i32
      %sign3A_133 = arith.constant 0 : i32
      %sign3A_134 = arith.cmpi sgt, %jit3A_124, %sign3A_133 : i32
      %sign3A_135 = arith.extui %sign3A_134 : i1 to i32
      %sign3A_136 = arith.constant 0 : i32
      %sign3A_137 = arith.cmpi slt, %jit3A_124, %sign3A_136 : i32
      %sign3A_138 = arith.extui %sign3A_137 : i1 to i32
      %sign3A_139 = arith.subi %sign3A_135, %sign3A_138 : i32
      %ne3A_140 = arith.cmpi ne, %sign3A_132, %sign3A_139 : i32
      %rem3A_141 = arith.remsi %select_n3A_123, %jit3A_124 : i32
      %ne3A_142 = arith.constant 0 : i32
      %ne3A_143 = arith.cmpi ne, %rem3A_141, %ne3A_142 : i32
      %and3A_144 = arith.andi %ne3A_140, %ne3A_143 : i1
      %sub3A_145 = arith.constant 1 : i32
      %sub3A_146 = arith.subi %div3A_125, %sub3A_145 : i32
      %select_n3A_147 = arith.select %and3A_144, %sub3A_146, %div3A_125 : i32
      %mul3A_148 = arith.constant 25 : i32
      %mul3A_149 = arith.muli %select_n3A_147, %mul3A_148 : i32
      %jit3A_150 = arith.constant 4 : i32
      %eq3A_151 = arith.constant 0 : i32
      %eq3A_152 = arith.cmpi eq, %jit3A_150, %eq3A_151 : i32
      %jit3A_153 = arith.constant 1 : i32
      %select_n3A_154 = arith.select %eq3A_152, %jit3A_153, %jit3A_150 : i32
      %rem3A_155 = arith.remsi %select_n3A_123, %select_n3A_154 : i32
      %ne3A_156 = arith.constant 0 : i32
      %ne3A_157 = arith.cmpi ne, %rem3A_155, %ne3A_156 : i32
      %lt3A_158 = arith.constant 0 : i32
      %lt3A_159 = arith.cmpi slt, %rem3A_155, %lt3A_158 : i32
      %lt3A_160 = arith.constant 0 : i32
      %lt3A_161 = arith.cmpi slt, %select_n3A_154, %lt3A_160 : i32
      %ne3A_162 = arith.xori %lt3A_159, %lt3A_161 : i1
      %and3A_163 = arith.andi %ne3A_162, %ne3A_157 : i1
      %add3A_164 = arith.addi %rem3A_155, %select_n3A_154 : i32
      %select_n3A_165 = arith.select %and3A_163, %add3A_164, %rem3A_155 : i32
      %mul3A_166 = arith.constant 40 : i32
      %mul3A_167 = arith.muli %select_n3A_165, %mul3A_166 : i32
      %add3A_168 = arith.constant 0 : i32
      %add3A_169 = arith.addi %add3A_168, %mul3A_149 : i32
      %mul3A_170 = arith.constant 1024 : i32
      %mul3A_171 = arith.muli %add3A_169, %mul3A_170 : i32
      "tpu.region"() ({
        %run_scoped3A = tpu.sem_alloc : memref<!tpu.dma_semaphore, #tpu.memory_space<semaphore_mem>>
        %dma_start3A_233 = tpu.memref_slice %arg2[%mul3A_171] : memref<204800xi32, #tpu.memory_space<hbm>> -> memref<25600xi32, #tpu.memory_space<hbm>>
        %dma_start3A_234 = tpu.memref_slice %arg2[%mul3A_171] : memref<204800xi32, #tpu.memory_space<hbm>> -> memref<25600xi32, #tpu.memory_space<hbm>>
        tpu.enqueue_dma source(%dma_start3A_234 : memref<25600xi32, #tpu.memory_space<hbm>>) target(%arg9 : memref<25600xi32, #tpu.memory_space<vmem>>) target_semaphore(%run_scoped3A : memref<!tpu.dma_semaphore, #tpu.memory_space<semaphore_mem>>)
        %dma_wait3A_235 = tpu.memref_slice %arg2[%mul3A_171] : memref<204800xi32, #tpu.memory_space<hbm>> -> memref<25600xi32, #tpu.memory_space<hbm>>
        %dma_wait3A_236 = tpu.memref_slice %arg2[%mul3A_171] : memref<204800xi32, #tpu.memory_space<hbm>> -> memref<25600xi32, #tpu.memory_space<hbm>>
        tpu.wait_dma2 semaphore(%run_scoped3A : memref<!tpu.dma_semaphore, #tpu.memory_space<semaphore_mem>>) src(%dma_wait3A_236 : memref<25600xi32, #tpu.memory_space<hbm>>) dst(%arg9 : memref<25600xi32, #tpu.memory_space<vmem>>)
        tpu.yield
      }) : () -> ()
      "tpu.region"() ({
        %run_scoped3A = tpu.sem_alloc : memref<!tpu.dma_semaphore, #tpu.memory_space<semaphore_mem>>
        tpu.enqueue_dma source(%arg3 : memref<160xf32, #tpu.memory_space<hbm>>) target(%arg10 : memref<160xf32, #tpu.memory_space<vmem>>) target_semaphore(%run_scoped3A : memref<!tpu.dma_semaphore, #tpu.memory_space<semaphore_mem>>)
        tpu.wait_dma2 semaphore(%run_scoped3A : memref<!tpu.dma_semaphore, #tpu.memory_space<semaphore_mem>>) src(%arg3 : memref<160xf32, #tpu.memory_space<hbm>>) dst(%arg10 : memref<160xf32, #tpu.memory_space<vmem>>)
        tpu.yield
      }) : () -> ()
      "tpu.region"() ({
        %run_scoped3A = tpu.sem_alloc : memref<!tpu.dma_semaphore, #tpu.memory_space<semaphore_mem>>
        tpu.enqueue_dma source(%arg4 : memref<1x40x1024xf32, #tpu.memory_space<hbm>>) target(%arg11 : memref<1x40x1024xf32, #tpu.memory_space<vmem>>) target_semaphore(%run_scoped3A : memref<!tpu.dma_semaphore, #tpu.memory_space<semaphore_mem>>)
        tpu.wait_dma2 semaphore(%run_scoped3A : memref<!tpu.dma_semaphore, #tpu.memory_space<semaphore_mem>>) src(%arg4 : memref<1x40x1024xf32, #tpu.memory_space<hbm>>) dst(%arg11 : memref<1x40x1024xf32, #tpu.memory_space<vmem>>)
        tpu.yield
      }) : () -> ()
      "tpu.region"() ({
        %run_scoped3A = tpu.sem_alloc : memref<!tpu.dma_semaphore, #tpu.memory_space<semaphore_mem>>
        tpu.enqueue_dma source(%arg4 : memref<1x40x1024xf32, #tpu.memory_space<hbm>>) target(%arg12 : memref<1x40x1024xf32, #tpu.memory_space<vmem>>) target_semaphore(%run_scoped3A : memref<!tpu.dma_semaphore, #tpu.memory_space<semaphore_mem>>)
        tpu.wait_dma2 semaphore(%run_scoped3A : memref<!tpu.dma_semaphore, #tpu.memory_space<semaphore_mem>>) src(%arg4 : memref<1x40x1024xf32, #tpu.memory_space<hbm>>) dst(%arg12 : memref<1x40x1024xf32, #tpu.memory_space<vmem>>)
        tpu.yield
      }) : () -> ()
      %scan3A = arith.constant 0 : i32
      %scan3A_172 = arith.constant 0 : i32
      %scan3A_173 = arith.constant 64 : i32
      %scan3A_174 = arith.addi %scan3A_172, %scan3A_173 : i32
      %scan3A_175 = arith.constant 1 : i32
      %scan3A_176 = scf.for %scan3A_233 = %scan3A_172 to %scan3A_174 step %scan3A_175 iter_args(%scan3A_234 = %scan3A) -> (i32)  : i32 {
        %mul3A_235 = arith.constant 16 : i32
        %mul3A_236 = arith.muli %scan3A_233, %mul3A_235 : i32
        %add3A_237 = vector.broadcast %mul3A_236 : i32 to vector<16xi32>
        %add3A_238 = arith.addi %iota3A, %add3A_237 : vector<16xi32>
        %mul3A_239 = arith.constant 16 : i32
        %mul3A_240 = arith.muli %scan3A_233, %mul3A_239 : i32
        %add3A_241 = arith.constant 0 : i32
        %add3A_242 = arith.addi %add3A_241, %mul3A_240 : i32
        %get3A = arith.index_cast %add3A_242 : i32 to index
        %get3A_243 = tpu.vector_load %arg9[%get3A] {strides = array<i32>} : memref<25600xi32, #tpu.memory_space<vmem>>, vector<16xi32>,
        %sub3A_244 = vector.broadcast %mul3A_167 : i32 to vector<16xi32>
        %sub3A_245 = arith.subi %get3A_243, %sub3A_244 : vector<16xi32>
        %ge3A = arith.constant 0 : i32
        %ge3A_246 = vector.broadcast %ge3A : i32 to vector<16xi32>
        %ge3A_247 = arith.cmpi sge, %sub3A_245, %ge3A_246 : vector<16xi32>
        %lt3A_248 = arith.constant 40 : i32
        %lt3A_249 = vector.broadcast %lt3A_248 : i32 to vector<16xi32>
        %lt3A_250 = arith.cmpi slt, %sub3A_245, %lt3A_249 : vector<16xi32>
        %and3A_251 = arith.andi %ge3A_247, %lt3A_250 : vector<16xi1>
        %gather3A = tpu.vector_load_idx %arg10[%get3A_243] masked %and3A_251 : memref<160xf32, #tpu.memory_space<vmem>>[vector<16xi32>], vector<16xf32>, vector<16xi1>
        tpu.vector_store_idx %arg11[%broadcast_in_dim3A_3, %sub3A_245, %add3A_238], %gather3A masked %and3A_251 : memref<1x40x1024xf32, #tpu.memory_space<vmem>>[vector<16xi32>, vector<16xi32>, vector<16xi32>], vector<16xf32>, vector<16xi1>
        %scan3A_252 = arith.constant 0 : i32
        scf.yield %scan3A_252 : i32
      }
      %scan3A_177 = arith.constant 64 : i32
      %add3A_178 = arith.constant 0 : i32
      %add3A_179 = arith.addi %mul3A_149, %add3A_178 : i32
      %dma_start3A = arith.constant 0 : i32
      %dma_start3A_180 = tpu.memref_slice %arg5[%add3A_179, %mul3A_167, %dma_start3A] : memref<50x160x1024xf32, #tpu.memory_space<hbm>> -> memref<1x40x1024xf32, #tpu.memory_space<hbm>>
      %dma_start3A_181 = arith.constant 0 : i32
      %dma_start3A_182 = tpu.memref_slice %arg5[%add3A_179, %mul3A_167, %dma_start3A_181] : memref<50x160x1024xf32, #tpu.memory_space<hbm>> -> memref<1x40x1024xf32, #tpu.memory_space<hbm>>
      tpu.enqueue_dma source(%arg11 : memref<1x40x1024xf32, #tpu.memory_space<vmem>>) target(%dma_start3A_182 : memref<1x40x1024xf32, #tpu.memory_space<hbm>>) target_semaphore(%arg13 : memref<!tpu.dma_semaphore, #tpu.memory_space<semaphore_mem>>)
      %scan3A_183 = arith.constant 0 : i32
      %scan3A_184 = arith.constant 0 : i32
      %scan3A_185 = arith.constant 64 : i32
      %scan3A_186 = arith.addi %scan3A_184, %scan3A_185 : i32
      %scan3A_187 = arith.constant 1 : i32
      %scan3A_188 = scf.for %scan3A_233 = %scan3A_184 to %scan3A_186 step %scan3A_187 iter_args(%scan3A_234 = %scan3A_183) -> (i32)  : i32 {
        %mul3A_235 = arith.constant 16 : i32
        %mul3A_236 = arith.muli %scan3A_233, %mul3A_235 : i32
        %add3A_237 = vector.broadcast %mul3A_236 : i32 to vector<16xi32>
        %add3A_238 = arith.addi %iota3A, %add3A_237 : vector<16xi32>
        %mul3A_239 = arith.constant 16 : i32
        %mul3A_240 = arith.muli %scan3A_233, %mul3A_239 : i32
        %add3A_241 = arith.constant 1024 : i32
        %add3A_242 = arith.addi %add3A_241, %mul3A_240 : i32
        %get3A = arith.index_cast %add3A_242 : i32 to index
        %get3A_243 = tpu.vector_load %arg9[%get3A] {strides = array<i32>} : memref<25600xi32, #tpu.memory_space<vmem>>, vector<16xi32>,
        %sub3A_244 = vector.broadcast %mul3A_167 : i32 to vector<16xi32>
        %sub3A_245 = arith.subi %get3A_243, %sub3A_244 : vector<16xi32>
        %ge3A = arith.constant 0 : i32
        %ge3A_246 = vector.broadcast %ge3A : i32 to vector<16xi32>
        %ge3A_247 = arith.cmpi sge, %sub3A_245, %ge3A_246 : vector<16xi32>
        %lt3A_248 = arith.constant 40 : i32
        %lt3A_249 = vector.broadcast %lt3A_248 : i32 to vector<16xi32>
        %lt3A_250 = arith.cmpi slt, %sub3A_245, %lt3A_249 : vector<16xi32>
        %and3A_251 = arith.andi %ge3A_247, %lt3A_250 : vector<16xi1>
        %gather3A = tpu.vector_load_idx %arg10[%get3A_243] masked %and3A_251 : memref<160xf32, #tpu.memory_space<vmem>>[vector<16xi32>], vector<16xf32>, vector<16xi1>
        tpu.vector_store_idx %arg12[%broadcast_in_dim3A_3, %sub3A_245, %add3A_238], %gather3A masked %and3A_251 : memref<1x40x1024xf32, #tpu.memory_space<vmem>>[vector<16xi32>, vector<16xi32>, vector<16xi32>], vector<16xf32>, vector<16xi1>
        %scan3A_252 = arith.constant 0 : i32
        scf.yield %scan3A_252 : i32
      }
      %scan3A_189 = arith.constant 64 : i32
      %add3A_190 = arith.constant 1 : i32
      %add3A_191 = arith.addi %mul3A_149, %add3A_190 : i32
      %dma_start3A_192 = arith.constant 0 : i32
      %dma_start3A_193 = tpu.memref_slice %arg5[%add3A_191, %mul3A_167, %dma_start3A_192] : memref<50x160x1024xf32, #tpu.memory_space<hbm>> -> memref<1x40x1024xf32, #tpu.memory_space<hbm>>
      %dma_start3A_194 = arith.constant 0 : i32
      %dma_start3A_195 = tpu.memref_slice %arg5[%add3A_191, %mul3A_167, %dma_start3A_194] : memref<50x160x1024xf32, #tpu.memory_space<hbm>> -> memref<1x40x1024xf32, #tpu.memory_space<hbm>>
      tpu.enqueue_dma source(%arg12 : memref<1x40x1024xf32, #tpu.memory_space<vmem>>) target(%dma_start3A_195 : memref<1x40x1024xf32, #tpu.memory_space<hbm>>) target_semaphore(%arg14 : memref<!tpu.dma_semaphore, #tpu.memory_space<semaphore_mem>>)
      %scan3A_196 = arith.constant 0 : i32
      %scan3A_197 = arith.constant 1 : i32
      %scan3A_198 = arith.constant 11 : i32
      %scan3A_199 = arith.addi %scan3A_197, %scan3A_198 : i32
      %scan3A_200 = arith.constant 1 : i32
      %scan3A_201 = scf.for %scan3A_233 = %scan3A_197 to %scan3A_199 step %scan3A_200 iter_args(%scan3A_234 = %scan3A_196) -> (i32)  : i32 {
        %mul3A_235 = arith.constant 2 : i32
        %mul3A_236 = arith.muli %scan3A_233, %mul3A_235 : i32
        %add3A_237 = arith.constant 0 : i32
        %add3A_238 = arith.addi %mul3A_236, %add3A_237 : i32
        %sub3A_239 = arith.constant 2 : i32
        %sub3A_240 = arith.subi %add3A_238, %sub3A_239 : i32
        %add3A_241 = arith.addi %mul3A_149, %sub3A_240 : i32
        %dma_wait3A_242 = arith.constant 0 : i32
        %dma_wait3A_243 = tpu.memref_slice %arg5[%add3A_241, %mul3A_167, %dma_wait3A_242] : memref<50x160x1024xf32, #tpu.memory_space<hbm>> -> memref<1x40x1024xf32, #tpu.memory_space<hbm>>
        %dma_wait3A_244 = arith.constant 0 : i32
        %dma_wait3A_245 = tpu.memref_slice %arg5[%add3A_241, %mul3A_167, %dma_wait3A_244] : memref<50x160x1024xf32, #tpu.memory_space<hbm>> -> memref<1x40x1024xf32, #tpu.memory_space<hbm>>
        tpu.wait_dma2 semaphore(%arg13 : memref<!tpu.dma_semaphore, #tpu.memory_space<semaphore_mem>>) src(%arg11 : memref<1x40x1024xf32, #tpu.memory_space<vmem>>) dst(%dma_wait3A_245 : memref<1x40x1024xf32, #tpu.memory_space<hbm>>)
        %sub3A_246 = arith.constant 2 : i32
        %sub3A_247 = arith.subi %add3A_238, %sub3A_246 : i32
        %scan3A_248 = arith.constant 0 : i32
        %scan3A_249 = arith.constant 0 : i32
        %scan3A_250 = arith.constant 64 : i32
        %scan3A_251 = arith.addi %scan3A_249, %scan3A_250 : i32
        %scan3A_252 = arith.constant 1 : i32
        %scan3A_253 = scf.for %scan3A_286 = %scan3A_249 to %scan3A_251 step %scan3A_252 iter_args(%scan3A_287 = %scan3A_248) -> (i32)  : i32 {
          %mul3A_288 = arith.constant 16 : i32
          %mul3A_289 = arith.muli %scan3A_286, %mul3A_288 : i32
          %add3A_290 = vector.broadcast %mul3A_289 : i32 to vector<16xi32>
          %add3A_291 = arith.addi %iota3A, %add3A_290 : vector<16xi32>
          %mul3A_292 = arith.constant 1024 : i32
          %mul3A_293 = arith.muli %sub3A_247, %mul3A_292 : i32
          %mul3A_294 = arith.constant 16 : i32
          %mul3A_295 = arith.muli %scan3A_286, %mul3A_294 : i32
          %add3A_296 = arith.addi %mul3A_293, %mul3A_295 : i32
          %get3A = arith.index_cast %add3A_296 : i32 to index
          %get3A_297 = tpu.vector_load %arg9[%get3A] {strides = array<i32>} : memref<25600xi32, #tpu.memory_space<vmem>>, vector<16xi32>,
          %sub3A_298 = vector.broadcast %mul3A_167 : i32 to vector<16xi32>
          %sub3A_299 = arith.subi %get3A_297, %sub3A_298 : vector<16xi32>
          %ge3A = arith.constant 0 : i32
          %ge3A_300 = vector.broadcast %ge3A : i32 to vector<16xi32>
          %ge3A_301 = arith.cmpi sge, %sub3A_299, %ge3A_300 : vector<16xi32>
          %lt3A_302 = arith.constant 40 : i32
          %lt3A_303 = vector.broadcast %lt3A_302 : i32 to vector<16xi32>
          %lt3A_304 = arith.cmpi slt, %sub3A_299, %lt3A_303 : vector<16xi32>
          %and3A_305 = arith.andi %ge3A_301, %lt3A_304 : vector<16xi1>
          tpu.vector_store_idx %arg11[%broadcast_in_dim3A_3, %sub3A_299, %add3A_291], %broadcast_in_dim3A_1 masked %and3A_305 : memref<1x40x1024xf32, #tpu.memory_space<vmem>>[vector<16xi32>, vector<16xi32>, vector<16xi32>], vector<16xf32>, vector<16xi1>
          %mul3A_306 = arith.constant 1024 : i32
          %mul3A_307 = arith.muli %add3A_238, %mul3A_306 : i32
          %mul3A_308 = arith.constant 16 : i32
          %mul3A_309 = arith.muli %scan3A_286, %mul3A_308 : i32
          %add3A_310 = arith.addi %mul3A_307, %mul3A_309 : i32
          %get3A_311 = arith.index_cast %add3A_310 : i32 to index
          %get3A_312 = tpu.vector_load %arg9[%get3A_311] {strides = array<i32>} : memref<25600xi32, #tpu.memory_space<vmem>>, vector<16xi32>,
          %sub3A_313 = vector.broadcast %mul3A_167 : i32 to vector<16xi32>
          %sub3A_314 = arith.subi %get3A_312, %sub3A_313 : vector<16xi32>
          %ge3A_315 = arith.constant 0 : i32
          %ge3A_316 = vector.broadcast %ge3A_315 : i32 to vector<16xi32>
          %ge3A_317 = arith.cmpi sge, %sub3A_314, %ge3A_316 : vector<16xi32>
          %lt3A_318 = arith.constant 40 : i32
          %lt3A_319 = vector.broadcast %lt3A_318 : i32 to vector<16xi32>
          %lt3A_320 = arith.cmpi slt, %sub3A_314, %lt3A_319 : vector<16xi32>
          %and3A_321 = arith.andi %ge3A_317, %lt3A_320 : vector<16xi1>
          %gather3A = tpu.vector_load_idx %arg10[%get3A_312] masked %and3A_321 : memref<160xf32, #tpu.memory_space<vmem>>[vector<16xi32>], vector<16xf32>, vector<16xi1>
          tpu.vector_store_idx %arg11[%broadcast_in_dim3A_3, %sub3A_314, %add3A_291], %gather3A masked %and3A_321 : memref<1x40x1024xf32, #tpu.memory_space<vmem>>[vector<16xi32>, vector<16xi32>, vector<16xi32>], vector<16xf32>, vector<16xi1>
          %scan3A_322 = arith.constant 0 : i32
          scf.yield %scan3A_322 : i32
        }
        %scan3A_254 = arith.constant 64 : i32
        %add3A_255 = arith.addi %mul3A_149, %add3A_238 : i32
        %dma_start3A_256 = arith.constant 0 : i32
        %dma_start3A_257 = tpu.memref_slice %arg5[%add3A_255, %mul3A_167, %dma_start3A_256] : memref<50x160x1024xf32, #tpu.memory_space<hbm>> -> memref<1x40x1024xf32, #tpu.memory_space<hbm>>
        %dma_start3A_258 = arith.constant 0 : i32
        %dma_start3A_259 = tpu.memref_slice %arg5[%add3A_255, %mul3A_167, %dma_start3A_258] : memref<50x160x1024xf32, #tpu.memory_space<hbm>> -> memref<1x40x1024xf32, #tpu.memory_space<hbm>>
        tpu.enqueue_dma source(%arg11 : memref<1x40x1024xf32, #tpu.memory_space<vmem>>) target(%dma_start3A_259 : memref<1x40x1024xf32, #tpu.memory_space<hbm>>) target_semaphore(%arg13 : memref<!tpu.dma_semaphore, #tpu.memory_space<semaphore_mem>>)
        %mul3A_260 = arith.constant 2 : i32
        %mul3A_261 = arith.muli %scan3A_233, %mul3A_260 : i32
        %add3A_262 = arith.constant 1 : i32
        %add3A_263 = arith.addi %mul3A_261, %add3A_262 : i32
        %sub3A_264 = arith.constant 2 : i32
        %sub3A_265 = arith.subi %add3A_263, %sub3A_264 : i32
        %add3A_266 = arith.addi %mul3A_149, %sub3A_265 : i32
        %dma_wait3A_267 = arith.constant 0 : i32
        %dma_wait3A_268 = tpu.memref_slice %arg5[%add3A_266, %mul3A_167, %dma_wait3A_267] : memref<50x160x1024xf32, #tpu.memory_space<hbm>> -> memref<1x40x1024xf32, #tpu.memory_space<hbm>>
        %dma_wait3A_269 = arith.constant 0 : i32
        %dma_wait3A_270 = tpu.memref_slice %arg5[%add3A_266, %mul3A_167, %dma_wait3A_269] : memref<50x160x1024xf32, #tpu.memory_space<hbm>> -> memref<1x40x1024xf32, #tpu.memory_space<hbm>>
        tpu.wait_dma2 semaphore(%arg14 : memref<!tpu.dma_semaphore, #tpu.memory_space<semaphore_mem>>) src(%arg12 : memref<1x40x1024xf32, #tpu.memory_space<vmem>>) dst(%dma_wait3A_270 : memref<1x40x1024xf32, #tpu.memory_space<hbm>>)
        %sub3A_271 = arith.constant 2 : i32
        %sub3A_272 = arith.subi %add3A_263, %sub3A_271 : i32
        %scan3A_273 = arith.constant 0 : i32
        %scan3A_274 = arith.constant 0 : i32
        %scan3A_275 = arith.constant 64 : i32
        %scan3A_276 = arith.addi %scan3A_274, %scan3A_275 : i32
        %scan3A_277 = arith.constant 1 : i32
        %scan3A_278 = scf.for %scan3A_286 = %scan3A_274 to %scan3A_276 step %scan3A_277 iter_args(%scan3A_287 = %scan3A_273) -> (i32)  : i32 {
          %mul3A_288 = arith.constant 16 : i32
          %mul3A_289 = arith.muli %scan3A_286, %mul3A_288 : i32
          %add3A_290 = vector.broadcast %mul3A_289 : i32 to vector<16xi32>
          %add3A_291 = arith.addi %iota3A, %add3A_290 : vector<16xi32>
          %mul3A_292 = arith.constant 1024 : i32
          %mul3A_293 = arith.muli %sub3A_272, %mul3A_292 : i32
          %mul3A_294 = arith.constant 16 : i32
          %mul3A_295 = arith.muli %scan3A_286, %mul3A_294 : i32
          %add3A_296 = arith.addi %mul3A_293, %mul3A_295 : i32
          %get3A = arith.index_cast %add3A_296 : i32 to index
          %get3A_297 = tpu.vector_load %arg9[%get3A] {strides = array<i32>} : memref<25600xi32, #tpu.memory_space<vmem>>, vector<16xi32>,
          %sub3A_298 = vector.broadcast %mul3A_167 : i32 to vector<16xi32>
          %sub3A_299 = arith.subi %get3A_297, %sub3A_298 : vector<16xi32>
          %ge3A = arith.constant 0 : i32
          %ge3A_300 = vector.broadcast %ge3A : i32 to vector<16xi32>
          %ge3A_301 = arith.cmpi sge, %sub3A_299, %ge3A_300 : vector<16xi32>
          %lt3A_302 = arith.constant 40 : i32
          %lt3A_303 = vector.broadcast %lt3A_302 : i32 to vector<16xi32>
          %lt3A_304 = arith.cmpi slt, %sub3A_299, %lt3A_303 : vector<16xi32>
          %and3A_305 = arith.andi %ge3A_301, %lt3A_304 : vector<16xi1>
          tpu.vector_store_idx %arg12[%broadcast_in_dim3A_3, %sub3A_299, %add3A_291], %broadcast_in_dim3A_1 masked %and3A_305 : memref<1x40x1024xf32, #tpu.memory_space<vmem>>[vector<16xi32>, vector<16xi32>, vector<16xi32>], vector<16xf32>, vector<16xi1>
          %mul3A_306 = arith.constant 1024 : i32
          %mul3A_307 = arith.muli %add3A_263, %mul3A_306 : i32
          %mul3A_308 = arith.constant 16 : i32
          %mul3A_309 = arith.muli %scan3A_286, %mul3A_308 : i32
          %add3A_310 = arith.addi %mul3A_307, %mul3A_309 : i32
          %get3A_311 = arith.index_cast %add3A_310 : i32 to index
          %get3A_312 = tpu.vector_load %arg9[%get3A_311] {strides = array<i32>} : memref<25600xi32, #tpu.memory_space<vmem>>, vector<16xi32>,
          %sub3A_313 = vector.broadcast %mul3A_167 : i32 to vector<16xi32>
          %sub3A_314 = arith.subi %get3A_312, %sub3A_313 : vector<16xi32>
          %ge3A_315 = arith.constant 0 : i32
          %ge3A_316 = vector.broadcast %ge3A_315 : i32 to vector<16xi32>
          %ge3A_317 = arith.cmpi sge, %sub3A_314, %ge3A_316 : vector<16xi32>
          %lt3A_318 = arith.constant 40 : i32
          %lt3A_319 = vector.broadcast %lt3A_318 : i32 to vector<16xi32>
          %lt3A_320 = arith.cmpi slt, %sub3A_314, %lt3A_319 : vector<16xi32>
          %and3A_321 = arith.andi %ge3A_317, %lt3A_320 : vector<16xi1>
          %gather3A = tpu.vector_load_idx %arg10[%get3A_312] masked %and3A_321 : memref<160xf32, #tpu.memory_space<vmem>>[vector<16xi32>], vector<16xf32>, vector<16xi1>
          tpu.vector_store_idx %arg12[%broadcast_in_dim3A_3, %sub3A_314, %add3A_291], %gather3A masked %and3A_321 : memref<1x40x1024xf32, #tpu.memory_space<vmem>>[vector<16xi32>, vector<16xi32>, vector<16xi32>], vector<16xf32>, vector<16xi1>
          %scan3A_322 = arith.constant 0 : i32
          scf.yield %scan3A_322 : i32
        }
        %scan3A_279 = arith.constant 64 : i32
        %add3A_280 = arith.addi %mul3A_149, %add3A_263 : i32
        %dma_start3A_281 = arith.constant 0 : i32
        %dma_start3A_282 = tpu.memref_slice %arg5[%add3A_280, %mul3A_167, %dma_start3A_281] : memref<50x160x1024xf32, #tpu.memory_space<hbm>> -> memref<1x40x1024xf32, #tpu.memory_space<hbm>>
        %dma_start3A_283 = arith.constant 0 : i32
        %dma_start3A_284 = tpu.memref_slice %arg5[%add3A_280, %mul3A_167, %dma_start3A_283] : memref<50x160x1024xf32, #tpu.memory_space<hbm>> -> memref<1x40x1024xf32, #tpu.memory_space<hbm>>
        tpu.enqueue_dma source(%arg12 : memref<1x40x1024xf32, #tpu.memory_space<vmem>>) target(%dma_start3A_284 : memref<1x40x1024xf32, #tpu.memory_space<hbm>>) target_semaphore(%arg14 : memref<!tpu.dma_semaphore, #tpu.memory_space<semaphore_mem>>)
        %scan3A_285 = arith.constant 0 : i32
        scf.yield %scan3A_285 : i32
      }
      %scan3A_202 = arith.constant 11 : i32
      %add3A_203 = arith.constant 22 : i32
      %add3A_204 = arith.addi %mul3A_149, %add3A_203 : i32
      %dma_wait3A = arith.constant 0 : i32
      %dma_wait3A_205 = tpu.memref_slice %arg5[%add3A_204, %mul3A_167, %dma_wait3A] : memref<50x160x1024xf32, #tpu.memory_space<hbm>> -> memref<1x40x1024xf32, #tpu.memory_space<hbm>>
      %dma_wait3A_206 = arith.constant 0 : i32
      %dma_wait3A_207 = tpu.memref_slice %arg5[%add3A_204, %mul3A_167, %dma_wait3A_206] : memref<50x160x1024xf32, #tpu.memory_space<hbm>> -> memref<1x40x1024xf32, #tpu.memory_space<hbm>>
      tpu.wait_dma2 semaphore(%arg13 : memref<!tpu.dma_semaphore, #tpu.memory_space<semaphore_mem>>) src(%arg11 : memref<1x40x1024xf32, #tpu.memory_space<vmem>>) dst(%dma_wait3A_207 : memref<1x40x1024xf32, #tpu.memory_space<hbm>>)
      %scan3A_208 = arith.constant 0 : i32
      %scan3A_209 = arith.constant 0 : i32
      %scan3A_210 = arith.constant 64 : i32
      %scan3A_211 = arith.addi %scan3A_209, %scan3A_210 : i32
      %scan3A_212 = arith.constant 1 : i32
      %scan3A_213 = scf.for %scan3A_233 = %scan3A_209 to %scan3A_211 step %scan3A_212 iter_args(%scan3A_234 = %scan3A_208) -> (i32)  : i32 {
        %mul3A_235 = arith.constant 16 : i32
        %mul3A_236 = arith.muli %scan3A_233, %mul3A_235 : i32
        %add3A_237 = vector.broadcast %mul3A_236 : i32 to vector<16xi32>
        %add3A_238 = arith.addi %iota3A, %add3A_237 : vector<16xi32>
        %mul3A_239 = arith.constant 16 : i32
        %mul3A_240 = arith.muli %scan3A_233, %mul3A_239 : i32
        %add3A_241 = arith.constant 22528 : i32
        %add3A_242 = arith.addi %add3A_241, %mul3A_240 : i32
        %get3A = arith.index_cast %add3A_242 : i32 to index
        %get3A_243 = tpu.vector_load %arg9[%get3A] {strides = array<i32>} : memref<25600xi32, #tpu.memory_space<vmem>>, vector<16xi32>,
        %sub3A_244 = vector.broadcast %mul3A_167 : i32 to vector<16xi32>
        %sub3A_245 = arith.subi %get3A_243, %sub3A_244 : vector<16xi32>
        %ge3A = arith.constant 0 : i32
        %ge3A_246 = vector.broadcast %ge3A : i32 to vector<16xi32>
        %ge3A_247 = arith.cmpi sge, %sub3A_245, %ge3A_246 : vector<16xi32>
        %lt3A_248 = arith.constant 40 : i32
        %lt3A_249 = vector.broadcast %lt3A_248 : i32 to vector<16xi32>
        %lt3A_250 = arith.cmpi slt, %sub3A_245, %lt3A_249 : vector<16xi32>
        %and3A_251 = arith.andi %ge3A_247, %lt3A_250 : vector<16xi1>
        tpu.vector_store_idx %arg11[%broadcast_in_dim3A_3, %sub3A_245, %add3A_238], %broadcast_in_dim3A_1 masked %and3A_251 : memref<1x40x1024xf32, #tpu.memory_space<vmem>>[vector<16xi32>, vector<16xi32>, vector<16xi32>], vector<16xf32>, vector<16xi1>
        %mul3A_252 = arith.constant 16 : i32
        %mul3A_253 = arith.muli %scan3A_233, %mul3A_252 : i32
        %add3A_254 = arith.constant 24576 : i32
        %add3A_255 = arith.addi %add3A_254, %mul3A_253 : i32
        %get3A_256 = arith.index_cast %add3A_255 : i32 to index
        %get3A_257 = tpu.vector_load %arg9[%get3A_256] {strides = array<i32>} : memref<25600xi32, #tpu.memory_space<vmem>>, vector<16xi32>,
        %sub3A_258 = vector.broadcast %mul3A_167 : i32 to vector<16xi32>
        %sub3A_259 = arith.subi %get3A_257, %sub3A_258 : vector<16xi32>
        %ge3A_260 = arith.constant 0 : i32
        %ge3A_261 = vector.broadcast %ge3A_260 : i32 to vector<16xi32>
        %ge3A_262 = arith.cmpi sge, %sub3A_259, %ge3A_261 : vector<16xi32>
        %lt3A_263 = arith.constant 40 : i32
        %lt3A_264 = vector.broadcast %lt3A_263 : i32 to vector<16xi32>
        %lt3A_265 = arith.cmpi slt, %sub3A_259, %lt3A_264 : vector<16xi32>
        %and3A_266 = arith.andi %ge3A_262, %lt3A_265 : vector<16xi1>
        %gather3A = tpu.vector_load_idx %arg10[%get3A_257] masked %and3A_266 : memref<160xf32, #tpu.memory_space<vmem>>[vector<16xi32>], vector<16xf32>, vector<16xi1>
        tpu.vector_store_idx %arg11[%broadcast_in_dim3A_3, %sub3A_259, %add3A_238], %gather3A masked %and3A_266 : memref<1x40x1024xf32, #tpu.memory_space<vmem>>[vector<16xi32>, vector<16xi32>, vector<16xi32>], vector<16xf32>, vector<16xi1>
        %scan3A_267 = arith.constant 0 : i32
        scf.yield %scan3A_267 : i32
      }
      %scan3A_214 = arith.constant 64 : i32
      %add3A_215 = arith.constant 24 : i32
      %add3A_216 = arith.addi %mul3A_149, %add3A_215 : i32
      %dma_start3A_217 = arith.constant 0 : i32
      %dma_start3A_218 = tpu.memref_slice %arg5[%add3A_216, %mul3A_167, %dma_start3A_217] : memref<50x160x1024xf32, #tpu.memory_space<hbm>> -> memref<1x40x1024xf32, #tpu.memory_space<hbm>>
      %dma_start3A_219 = arith.constant 0 : i32
      %dma_start3A_220 = tpu.memref_slice %arg5[%add3A_216, %mul3A_167, %dma_start3A_219] : memref<50x160x1024xf32, #tpu.memory_space<hbm>> -> memref<1x40x1024xf32, #tpu.memory_space<hbm>>
      tpu.enqueue_dma source(%arg11 : memref<1x40x1024xf32, #tpu.memory_space<vmem>>) target(%dma_start3A_220 : memref<1x40x1024xf32, #tpu.memory_space<hbm>>) target_semaphore(%arg13 : memref<!tpu.dma_semaphore, #tpu.memory_space<semaphore_mem>>)
      %add3A_221 = arith.constant 23 : i32
      %add3A_222 = arith.addi %mul3A_149, %add3A_221 : i32
      %dma_wait3A_223 = arith.constant 0 : i32
      %dma_wait3A_224 = tpu.memref_slice %arg5[%add3A_222, %mul3A_167, %dma_wait3A_223] : memref<50x160x1024xf32, #tpu.memory_space<hbm>> -> memref<1x40x1024xf32, #tpu.memory_space<hbm>>
      %dma_wait3A_225 = arith.constant 0 : i32
      %dma_wait3A_226 = tpu.memref_slice %arg5[%add3A_222, %mul3A_167, %dma_wait3A_225] : memref<50x160x1024xf32, #tpu.memory_space<hbm>> -> memref<1x40x1024xf32, #tpu.memory_space<hbm>>
      tpu.wait_dma2 semaphore(%arg14 : memref<!tpu.dma_semaphore, #tpu.memory_space<semaphore_mem>>) src(%arg12 : memref<1x40x1024xf32, #tpu.memory_space<vmem>>) dst(%dma_wait3A_226 : memref<1x40x1024xf32, #tpu.memory_space<hbm>>)
      %add3A_227 = arith.constant 24 : i32
      %add3A_228 = arith.addi %mul3A_149, %add3A_227 : i32
      %dma_wait3A_229 = arith.constant 0 : i32
      %dma_wait3A_230 = tpu.memref_slice %arg5[%add3A_228, %mul3A_167, %dma_wait3A_229] : memref<50x160x1024xf32, #tpu.memory_space<hbm>> -> memref<1x40x1024xf32, #tpu.memory_space<hbm>>
      %dma_wait3A_231 = arith.constant 0 : i32
      %dma_wait3A_232 = tpu.memref_slice %arg5[%add3A_228, %mul3A_167, %dma_wait3A_231] : memref<50x160x1024xf32, #tpu.memory_space<hbm>> -> memref<1x40x1024xf32, #tpu.memory_space<hbm>>
      tpu.wait_dma2 semaphore(%arg13 : memref<!tpu.dma_semaphore, #tpu.memory_space<semaphore_mem>>) src(%arg11 : memref<1x40x1024xf32, #tpu.memory_space<vmem>>) dst(%dma_wait3A_232 : memref<1x40x1024xf32, #tpu.memory_space<hbm>>)
    } else {
    }
    %jit3A_22 = arith.constant 8 : i32
    %div3A_23 = arith.divsi %add3A, %jit3A_22 : i32
    %sign3A_24 = arith.constant 0 : i32
    %sign3A_25 = arith.cmpi sgt, %add3A, %sign3A_24 : i32
    %sign3A_26 = arith.extui %sign3A_25 : i1 to i32
    %sign3A_27 = arith.constant 0 : i32
    %sign3A_28 = arith.cmpi slt, %add3A, %sign3A_27 : i32
    %sign3A_29 = arith.extui %sign3A_28 : i1 to i32
    %sign3A_30 = arith.subi %sign3A_26, %sign3A_29 : i32
    %sign3A_31 = arith.constant 0 : i32
    %sign3A_32 = arith.cmpi sgt, %jit3A_22, %sign3A_31 : i32
    %sign3A_33 = arith.extui %sign3A_32 : i1 to i32
    %sign3A_34 = arith.constant 0 : i32
    %sign3A_35 = arith.cmpi slt, %jit3A_22, %sign3A_34 : i32
    %sign3A_36 = arith.extui %sign3A_35 : i1 to i32
    %sign3A_37 = arith.subi %sign3A_33, %sign3A_36 : i32
    %ne3A_38 = arith.cmpi ne, %sign3A_30, %sign3A_37 : i32
    %rem3A_39 = arith.remsi %add3A, %jit3A_22 : i32
    %ne3A_40 = arith.constant 0 : i32
    %ne3A_41 = arith.cmpi ne, %rem3A_39, %ne3A_40 : i32
    %and3A_42 = arith.andi %ne3A_38, %ne3A_41 : i1
    %sub3A_43 = arith.constant 1 : i32
    %sub3A_44 = arith.subi %div3A_23, %sub3A_43 : i32
    %select_n3A_45 = arith.select %and3A_42, %sub3A_44, %div3A_23 : i32
    %eq3A_46 = arith.constant 1 : i32
    %eq3A_47 = arith.cmpi eq, %select_n3A_45, %eq3A_46 : i32
    %convert_element_type3A_48 = arith.extui %eq3A_47 : i1 to i32
    %cond3A_49 = arith.constant 0 : i32
    %cond3A_50 = arith.cmpi ne, %convert_element_type3A_48, %cond3A_49 : i32
    scf.if %cond3A_50 {
      %jit3A_109 = arith.constant 8 : i32
      %eq3A_110 = arith.constant 0 : i32
      %eq3A_111 = arith.cmpi eq, %jit3A_109, %eq3A_110 : i32
      %jit3A_112 = arith.constant 1 : i32
      %select_n3A_113 = arith.select %eq3A_111, %jit3A_112, %jit3A_109 : i32
      %rem3A_114 = arith.remsi %add3A, %select_n3A_113 : i32
      %ne3A_115 = arith.constant 0 : i32
      %ne3A_116 = arith.cmpi ne, %rem3A_114, %ne3A_115 : i32
      %lt3A = arith.constant 0 : i32
      %lt3A_117 = arith.cmpi slt, %rem3A_114, %lt3A : i32
      %lt3A_118 = arith.constant 0 : i32
      %lt3A_119 = arith.cmpi slt, %select_n3A_113, %lt3A_118 : i32
      %ne3A_120 = arith.xori %lt3A_117, %lt3A_119 : i1
      %and3A_121 = arith.andi %ne3A_120, %ne3A_116 : i1
      %add3A_122 = arith.addi %rem3A_114, %select_n3A_113 : i32
      %select_n3A_123 = arith.select %and3A_121, %add3A_122, %rem3A_114 : i32
      %jit3A_124 = arith.constant 4 : i32
      %div3A_125 = arith.divsi %select_n3A_123, %jit3A_124 : i32
      %sign3A_126 = arith.constant 0 : i32
      %sign3A_127 = arith.cmpi sgt, %select_n3A_123, %sign3A_126 : i32
      %sign3A_128 = arith.extui %sign3A_127 : i1 to i32
      %sign3A_129 = arith.constant 0 : i32
      %sign3A_130 = arith.cmpi slt, %select_n3A_123, %sign3A_129 : i32
      %sign3A_131 = arith.extui %sign3A_130 : i1 to i32
      %sign3A_132 = arith.subi %sign3A_128, %sign3A_131 : i32
      %sign3A_133 = arith.constant 0 : i32
      %sign3A_134 = arith.cmpi sgt, %jit3A_124, %sign3A_133 : i32
      %sign3A_135 = arith.extui %sign3A_134 : i1 to i32
      %sign3A_136 = arith.constant 0 : i32
      %sign3A_137 = arith.cmpi slt, %jit3A_124, %sign3A_136 : i32
      %sign3A_138 = arith.extui %sign3A_137 : i1 to i32
      %sign3A_139 = arith.subi %sign3A_135, %sign3A_138 : i32
      %ne3A_140 = arith.cmpi ne, %sign3A_132, %sign3A_139 : i32
      %rem3A_141 = arith.remsi %select_n3A_123, %jit3A_124 : i32
      %ne3A_142 = arith.constant 0 : i32
      %ne3A_143 = arith.cmpi ne, %rem3A_141, %ne3A_142 : i32
      %and3A_144 = arith.andi %ne3A_140, %ne3A_143 : i1
      %sub3A_145 = arith.constant 1 : i32
      %sub3A_146 = arith.subi %div3A_125, %sub3A_145 : i32
      %select_n3A_147 = arith.select %and3A_144, %sub3A_146, %div3A_125 : i32
      %mul3A_148 = arith.constant 25 : i32
      %mul3A_149 = arith.muli %select_n3A_147, %mul3A_148 : i32
      %jit3A_150 = arith.constant 4 : i32
      %eq3A_151 = arith.constant 0 : i32
      %eq3A_152 = arith.cmpi eq, %jit3A_150, %eq3A_151 : i32
      %jit3A_153 = arith.constant 1 : i32
      %select_n3A_154 = arith.select %eq3A_152, %jit3A_153, %jit3A_150 : i32
      %rem3A_155 = arith.remsi %select_n3A_123, %select_n3A_154 : i32
      %ne3A_156 = arith.constant 0 : i32
      %ne3A_157 = arith.cmpi ne, %rem3A_155, %ne3A_156 : i32
      %lt3A_158 = arith.constant 0 : i32
      %lt3A_159 = arith.cmpi slt, %rem3A_155, %lt3A_158 : i32
      %lt3A_160 = arith.constant 0 : i32
      %lt3A_161 = arith.cmpi slt, %select_n3A_154, %lt3A_160 : i32
      %ne3A_162 = arith.xori %lt3A_159, %lt3A_161 : i1
      %and3A_163 = arith.andi %ne3A_162, %ne3A_157 : i1
      %add3A_164 = arith.addi %rem3A_155, %select_n3A_154 : i32
      %select_n3A_165 = arith.select %and3A_163, %add3A_164, %rem3A_155 : i32
      %mul3A_166 = arith.constant 40 : i32
      %mul3A_167 = arith.muli %select_n3A_165, %mul3A_166 : i32
      %add3A_168 = arith.constant 50 : i32
      %add3A_169 = arith.addi %add3A_168, %mul3A_149 : i32
      %mul3A_170 = arith.constant 1024 : i32
      %mul3A_171 = arith.muli %add3A_169, %mul3A_170 : i32
      "tpu.region"() ({
        %run_scoped3A = tpu.sem_alloc : memref<!tpu.dma_semaphore, #tpu.memory_space<semaphore_mem>>
        %dma_start3A_233 = tpu.memref_slice %arg2[%mul3A_171] : memref<204800xi32, #tpu.memory_space<hbm>> -> memref<25600xi32, #tpu.memory_space<hbm>>
        %dma_start3A_234 = tpu.memref_slice %arg2[%mul3A_171] : memref<204800xi32, #tpu.memory_space<hbm>> -> memref<25600xi32, #tpu.memory_space<hbm>>
        tpu.enqueue_dma source(%dma_start3A_234 : memref<25600xi32, #tpu.memory_space<hbm>>) target(%arg9 : memref<25600xi32, #tpu.memory_space<vmem>>) target_semaphore(%run_scoped3A : memref<!tpu.dma_semaphore, #tpu.memory_space<semaphore_mem>>)
        %dma_wait3A_235 = tpu.memref_slice %arg2[%mul3A_171] : memref<204800xi32, #tpu.memory_space<hbm>> -> memref<25600xi32, #tpu.memory_space<hbm>>
        %dma_wait3A_236 = tpu.memref_slice %arg2[%mul3A_171] : memref<204800xi32, #tpu.memory_space<hbm>> -> memref<25600xi32, #tpu.memory_space<hbm>>
        tpu.wait_dma2 semaphore(%run_scoped3A : memref<!tpu.dma_semaphore, #tpu.memory_space<semaphore_mem>>) src(%dma_wait3A_236 : memref<25600xi32, #tpu.memory_space<hbm>>) dst(%arg9 : memref<25600xi32, #tpu.memory_space<vmem>>)
        tpu.yield
      }) : () -> ()
      "tpu.region"() ({
        %run_scoped3A = tpu.sem_alloc : memref<!tpu.dma_semaphore, #tpu.memory_space<semaphore_mem>>
        tpu.enqueue_dma source(%arg3 : memref<160xf32, #tpu.memory_space<hbm>>) target(%arg10 : memref<160xf32, #tpu.memory_space<vmem>>) target_semaphore(%run_scoped3A : memref<!tpu.dma_semaphore, #tpu.memory_space<semaphore_mem>>)
        tpu.wait_dma2 semaphore(%run_scoped3A : memref<!tpu.dma_semaphore, #tpu.memory_space<semaphore_mem>>) src(%arg3 : memref<160xf32, #tpu.memory_space<hbm>>) dst(%arg10 : memref<160xf32, #tpu.memory_space<vmem>>)
        tpu.yield
      }) : () -> ()
      "tpu.region"() ({
        %run_scoped3A = tpu.sem_alloc : memref<!tpu.dma_semaphore, #tpu.memory_space<semaphore_mem>>
        tpu.enqueue_dma source(%arg4 : memref<1x40x1024xf32, #tpu.memory_space<hbm>>) target(%arg11 : memref<1x40x1024xf32, #tpu.memory_space<vmem>>) target_semaphore(%run_scoped3A : memref<!tpu.dma_semaphore, #tpu.memory_space<semaphore_mem>>)
        tpu.wait_dma2 semaphore(%run_scoped3A : memref<!tpu.dma_semaphore, #tpu.memory_space<semaphore_mem>>) src(%arg4 : memref<1x40x1024xf32, #tpu.memory_space<hbm>>) dst(%arg11 : memref<1x40x1024xf32, #tpu.memory_space<vmem>>)
        tpu.yield
      }) : () -> ()
      "tpu.region"() ({
        %run_scoped3A = tpu.sem_alloc : memref<!tpu.dma_semaphore, #tpu.memory_space<semaphore_mem>>
        tpu.enqueue_dma source(%arg4 : memref<1x40x1024xf32, #tpu.memory_space<hbm>>) target(%arg12 : memref<1x40x1024xf32, #tpu.memory_space<vmem>>) target_semaphore(%run_scoped3A : memref<!tpu.dma_semaphore, #tpu.memory_space<semaphore_mem>>)
        tpu.wait_dma2 semaphore(%run_scoped3A : memref<!tpu.dma_semaphore, #tpu.memory_space<semaphore_mem>>) src(%arg4 : memref<1x40x1024xf32, #tpu.memory_space<hbm>>) dst(%arg12 : memref<1x40x1024xf32, #tpu.memory_space<vmem>>)
        tpu.yield
      }) : () -> ()
      %scan3A = arith.constant 0 : i32
      %scan3A_172 = arith.constant 0 : i32
      %scan3A_173 = arith.constant 64 : i32
      %scan3A_174 = arith.addi %scan3A_172, %scan3A_173 : i32
      %scan3A_175 = arith.constant 1 : i32
      %scan3A_176 = scf.for %scan3A_233 = %scan3A_172 to %scan3A_174 step %scan3A_175 iter_args(%scan3A_234 = %scan3A) -> (i32)  : i32 {
        %mul3A_235 = arith.constant 16 : i32
        %mul3A_236 = arith.muli %scan3A_233, %mul3A_235 : i32
        %add3A_237 = vector.broadcast %mul3A_236 : i32 to vector<16xi32>
        %add3A_238 = arith.addi %iota3A, %add3A_237 : vector<16xi32>
        %mul3A_239 = arith.constant 16 : i32
        %mul3A_240 = arith.muli %scan3A_233, %mul3A_239 : i32
        %add3A_241 = arith.constant 0 : i32
        %add3A_242 = arith.addi %add3A_241, %mul3A_240 : i32
        %get3A = arith.index_cast %add3A_242 : i32 to index
        %get3A_243 = tpu.vector_load %arg9[%get3A] {strides = array<i32>} : memref<25600xi32, #tpu.memory_space<vmem>>, vector<16xi32>,
        %sub3A_244 = vector.broadcast %mul3A_167 : i32 to vector<16xi32>
        %sub3A_245 = arith.subi %get3A_243, %sub3A_244 : vector<16xi32>
        %ge3A = arith.constant 0 : i32
        %ge3A_246 = vector.broadcast %ge3A : i32 to vector<16xi32>
        %ge3A_247 = arith.cmpi sge, %sub3A_245, %ge3A_246 : vector<16xi32>
        %lt3A_248 = arith.constant 40 : i32
        %lt3A_249 = vector.broadcast %lt3A_248 : i32 to vector<16xi32>
        %lt3A_250 = arith.cmpi slt, %sub3A_245, %lt3A_249 : vector<16xi32>
        %and3A_251 = arith.andi %ge3A_247, %lt3A_250 : vector<16xi1>
        %gather3A = tpu.vector_load_idx %arg10[%get3A_243] masked %and3A_251 : memref<160xf32, #tpu.memory_space<vmem>>[vector<16xi32>], vector<16xf32>, vector<16xi1>
        tpu.vector_store_idx %arg11[%broadcast_in_dim3A_3, %sub3A_245, %add3A_238], %gather3A masked %and3A_251 : memref<1x40x1024xf32, #tpu.memory_space<vmem>>[vector<16xi32>, vector<16xi32>, vector<16xi32>], vector<16xf32>, vector<16xi1>
        %scan3A_252 = arith.constant 0 : i32
        scf.yield %scan3A_252 : i32
      }
      %scan3A_177 = arith.constant 64 : i32
      %add3A_178 = arith.constant 0 : i32
      %add3A_179 = arith.addi %mul3A_149, %add3A_178 : i32
      %dma_start3A = arith.constant 0 : i32
      %dma_start3A_180 = tpu.memref_slice %arg6[%add3A_179, %mul3A_167, %dma_start3A] : memref<50x160x1024xf32, #tpu.memory_space<hbm>> -> memref<1x40x1024xf32, #tpu.memory_space<hbm>>
      %dma_start3A_181 = arith.constant 0 : i32
      %dma_start3A_182 = tpu.memref_slice %arg6[%add3A_179, %mul3A_167, %dma_start3A_181] : memref<50x160x1024xf32, #tpu.memory_space<hbm>> -> memref<1x40x1024xf32, #tpu.memory_space<hbm>>
      tpu.enqueue_dma source(%arg11 : memref<1x40x1024xf32, #tpu.memory_space<vmem>>) target(%dma_start3A_182 : memref<1x40x1024xf32, #tpu.memory_space<hbm>>) target_semaphore(%arg13 : memref<!tpu.dma_semaphore, #tpu.memory_space<semaphore_mem>>)
      %scan3A_183 = arith.constant 0 : i32
      %scan3A_184 = arith.constant 0 : i32
      %scan3A_185 = arith.constant 64 : i32
      %scan3A_186 = arith.addi %scan3A_184, %scan3A_185 : i32
      %scan3A_187 = arith.constant 1 : i32
      %scan3A_188 = scf.for %scan3A_233 = %scan3A_184 to %scan3A_186 step %scan3A_187 iter_args(%scan3A_234 = %scan3A_183) -> (i32)  : i32 {
        %mul3A_235 = arith.constant 16 : i32
        %mul3A_236 = arith.muli %scan3A_233, %mul3A_235 : i32
        %add3A_237 = vector.broadcast %mul3A_236 : i32 to vector<16xi32>
        %add3A_238 = arith.addi %iota3A, %add3A_237 : vector<16xi32>
        %mul3A_239 = arith.constant 16 : i32
        %mul3A_240 = arith.muli %scan3A_233, %mul3A_239 : i32
        %add3A_241 = arith.constant 1024 : i32
        %add3A_242 = arith.addi %add3A_241, %mul3A_240 : i32
        %get3A = arith.index_cast %add3A_242 : i32 to index
        %get3A_243 = tpu.vector_load %arg9[%get3A] {strides = array<i32>} : memref<25600xi32, #tpu.memory_space<vmem>>, vector<16xi32>,
        %sub3A_244 = vector.broadcast %mul3A_167 : i32 to vector<16xi32>
        %sub3A_245 = arith.subi %get3A_243, %sub3A_244 : vector<16xi32>
        %ge3A = arith.constant 0 : i32
        %ge3A_246 = vector.broadcast %ge3A : i32 to vector<16xi32>
        %ge3A_247 = arith.cmpi sge, %sub3A_245, %ge3A_246 : vector<16xi32>
        %lt3A_248 = arith.constant 40 : i32
        %lt3A_249 = vector.broadcast %lt3A_248 : i32 to vector<16xi32>
        %lt3A_250 = arith.cmpi slt, %sub3A_245, %lt3A_249 : vector<16xi32>
        %and3A_251 = arith.andi %ge3A_247, %lt3A_250 : vector<16xi1>
        %gather3A = tpu.vector_load_idx %arg10[%get3A_243] masked %and3A_251 : memref<160xf32, #tpu.memory_space<vmem>>[vector<16xi32>], vector<16xf32>, vector<16xi1>
        tpu.vector_store_idx %arg12[%broadcast_in_dim3A_3, %sub3A_245, %add3A_238], %gather3A masked %and3A_251 : memref<1x40x1024xf32, #tpu.memory_space<vmem>>[vector<16xi32>, vector<16xi32>, vector<16xi32>], vector<16xf32>, vector<16xi1>
        %scan3A_252 = arith.constant 0 : i32
        scf.yield %scan3A_252 : i32
      }
      %scan3A_189 = arith.constant 64 : i32
      %add3A_190 = arith.constant 1 : i32
      %add3A_191 = arith.addi %mul3A_149, %add3A_190 : i32
      %dma_start3A_192 = arith.constant 0 : i32
      %dma_start3A_193 = tpu.memref_slice %arg6[%add3A_191, %mul3A_167, %dma_start3A_192] : memref<50x160x1024xf32, #tpu.memory_space<hbm>> -> memref<1x40x1024xf32, #tpu.memory_space<hbm>>
      %dma_start3A_194 = arith.constant 0 : i32
      %dma_start3A_195 = tpu.memref_slice %arg6[%add3A_191, %mul3A_167, %dma_start3A_194] : memref<50x160x1024xf32, #tpu.memory_space<hbm>> -> memref<1x40x1024xf32, #tpu.memory_space<hbm>>
      tpu.enqueue_dma source(%arg12 : memref<1x40x1024xf32, #tpu.memory_space<vmem>>) target(%dma_start3A_195 : memref<1x40x1024xf32, #tpu.memory_space<hbm>>) target_semaphore(%arg14 : memref<!tpu.dma_semaphore, #tpu.memory_space<semaphore_mem>>)
      %scan3A_196 = arith.constant 0 : i32
      %scan3A_197 = arith.constant 1 : i32
      %scan3A_198 = arith.constant 11 : i32
      %scan3A_199 = arith.addi %scan3A_197, %scan3A_198 : i32
      %scan3A_200 = arith.constant 1 : i32
      %scan3A_201 = scf.for %scan3A_233 = %scan3A_197 to %scan3A_199 step %scan3A_200 iter_args(%scan3A_234 = %scan3A_196) -> (i32)  : i32 {
        %mul3A_235 = arith.constant 2 : i32
        %mul3A_236 = arith.muli %scan3A_233, %mul3A_235 : i32
        %add3A_237 = arith.constant 0 : i32
        %add3A_238 = arith.addi %mul3A_236, %add3A_237 : i32
        %sub3A_239 = arith.constant 2 : i32
        %sub3A_240 = arith.subi %add3A_238, %sub3A_239 : i32
        %add3A_241 = arith.addi %mul3A_149, %sub3A_240 : i32
        %dma_wait3A_242 = arith.constant 0 : i32
        %dma_wait3A_243 = tpu.memref_slice %arg6[%add3A_241, %mul3A_167, %dma_wait3A_242] : memref<50x160x1024xf32, #tpu.memory_space<hbm>> -> memref<1x40x1024xf32, #tpu.memory_space<hbm>>
        %dma_wait3A_244 = arith.constant 0 : i32
        %dma_wait3A_245 = tpu.memref_slice %arg6[%add3A_241, %mul3A_167, %dma_wait3A_244] : memref<50x160x1024xf32, #tpu.memory_space<hbm>> -> memref<1x40x1024xf32, #tpu.memory_space<hbm>>
        tpu.wait_dma2 semaphore(%arg13 : memref<!tpu.dma_semaphore, #tpu.memory_space<semaphore_mem>>) src(%arg11 : memref<1x40x1024xf32, #tpu.memory_space<vmem>>) dst(%dma_wait3A_245 : memref<1x40x1024xf32, #tpu.memory_space<hbm>>)
        %sub3A_246 = arith.constant 2 : i32
        %sub3A_247 = arith.subi %add3A_238, %sub3A_246 : i32
        %scan3A_248 = arith.constant 0 : i32
        %scan3A_249 = arith.constant 0 : i32
        %scan3A_250 = arith.constant 64 : i32
        %scan3A_251 = arith.addi %scan3A_249, %scan3A_250 : i32
        %scan3A_252 = arith.constant 1 : i32
        %scan3A_253 = scf.for %scan3A_286 = %scan3A_249 to %scan3A_251 step %scan3A_252 iter_args(%scan3A_287 = %scan3A_248) -> (i32)  : i32 {
          %mul3A_288 = arith.constant 16 : i32
          %mul3A_289 = arith.muli %scan3A_286, %mul3A_288 : i32
          %add3A_290 = vector.broadcast %mul3A_289 : i32 to vector<16xi32>
          %add3A_291 = arith.addi %iota3A, %add3A_290 : vector<16xi32>
          %mul3A_292 = arith.constant 1024 : i32
          %mul3A_293 = arith.muli %sub3A_247, %mul3A_292 : i32
          %mul3A_294 = arith.constant 16 : i32
          %mul3A_295 = arith.muli %scan3A_286, %mul3A_294 : i32
          %add3A_296 = arith.addi %mul3A_293, %mul3A_295 : i32
          %get3A = arith.index_cast %add3A_296 : i32 to index
          %get3A_297 = tpu.vector_load %arg9[%get3A] {strides = array<i32>} : memref<25600xi32, #tpu.memory_space<vmem>>, vector<16xi32>,
          %sub3A_298 = vector.broadcast %mul3A_167 : i32 to vector<16xi32>
          %sub3A_299 = arith.subi %get3A_297, %sub3A_298 : vector<16xi32>
          %ge3A = arith.constant 0 : i32
          %ge3A_300 = vector.broadcast %ge3A : i32 to vector<16xi32>
          %ge3A_301 = arith.cmpi sge, %sub3A_299, %ge3A_300 : vector<16xi32>
          %lt3A_302 = arith.constant 40 : i32
          %lt3A_303 = vector.broadcast %lt3A_302 : i32 to vector<16xi32>
          %lt3A_304 = arith.cmpi slt, %sub3A_299, %lt3A_303 : vector<16xi32>
          %and3A_305 = arith.andi %ge3A_301, %lt3A_304 : vector<16xi1>
          tpu.vector_store_idx %arg11[%broadcast_in_dim3A_3, %sub3A_299, %add3A_291], %broadcast_in_dim3A_1 masked %and3A_305 : memref<1x40x1024xf32, #tpu.memory_space<vmem>>[vector<16xi32>, vector<16xi32>, vector<16xi32>], vector<16xf32>, vector<16xi1>
          %mul3A_306 = arith.constant 1024 : i32
          %mul3A_307 = arith.muli %add3A_238, %mul3A_306 : i32
          %mul3A_308 = arith.constant 16 : i32
          %mul3A_309 = arith.muli %scan3A_286, %mul3A_308 : i32
          %add3A_310 = arith.addi %mul3A_307, %mul3A_309 : i32
          %get3A_311 = arith.index_cast %add3A_310 : i32 to index
          %get3A_312 = tpu.vector_load %arg9[%get3A_311] {strides = array<i32>} : memref<25600xi32, #tpu.memory_space<vmem>>, vector<16xi32>,
          %sub3A_313 = vector.broadcast %mul3A_167 : i32 to vector<16xi32>
          %sub3A_314 = arith.subi %get3A_312, %sub3A_313 : vector<16xi32>
          %ge3A_315 = arith.constant 0 : i32
          %ge3A_316 = vector.broadcast %ge3A_315 : i32 to vector<16xi32>
          %ge3A_317 = arith.cmpi sge, %sub3A_314, %ge3A_316 : vector<16xi32>
          %lt3A_318 = arith.constant 40 : i32
          %lt3A_319 = vector.broadcast %lt3A_318 : i32 to vector<16xi32>
          %lt3A_320 = arith.cmpi slt, %sub3A_314, %lt3A_319 : vector<16xi32>
          %and3A_321 = arith.andi %ge3A_317, %lt3A_320 : vector<16xi1>
          %gather3A = tpu.vector_load_idx %arg10[%get3A_312] masked %and3A_321 : memref<160xf32, #tpu.memory_space<vmem>>[vector<16xi32>], vector<16xf32>, vector<16xi1>
          tpu.vector_store_idx %arg11[%broadcast_in_dim3A_3, %sub3A_314, %add3A_291], %gather3A masked %and3A_321 : memref<1x40x1024xf32, #tpu.memory_space<vmem>>[vector<16xi32>, vector<16xi32>, vector<16xi32>], vector<16xf32>, vector<16xi1>
          %scan3A_322 = arith.constant 0 : i32
          scf.yield %scan3A_322 : i32
        }
        %scan3A_254 = arith.constant 64 : i32
        %add3A_255 = arith.addi %mul3A_149, %add3A_238 : i32
        %dma_start3A_256 = arith.constant 0 : i32
        %dma_start3A_257 = tpu.memref_slice %arg6[%add3A_255, %mul3A_167, %dma_start3A_256] : memref<50x160x1024xf32, #tpu.memory_space<hbm>> -> memref<1x40x1024xf32, #tpu.memory_space<hbm>>
        %dma_start3A_258 = arith.constant 0 : i32
        %dma_start3A_259 = tpu.memref_slice %arg6[%add3A_255, %mul3A_167, %dma_start3A_258] : memref<50x160x1024xf32, #tpu.memory_space<hbm>> -> memref<1x40x1024xf32, #tpu.memory_space<hbm>>
        tpu.enqueue_dma source(%arg11 : memref<1x40x1024xf32, #tpu.memory_space<vmem>>) target(%dma_start3A_259 : memref<1x40x1024xf32, #tpu.memory_space<hbm>>) target_semaphore(%arg13 : memref<!tpu.dma_semaphore, #tpu.memory_space<semaphore_mem>>)
        %mul3A_260 = arith.constant 2 : i32
        %mul3A_261 = arith.muli %scan3A_233, %mul3A_260 : i32
        %add3A_262 = arith.constant 1 : i32
        %add3A_263 = arith.addi %mul3A_261, %add3A_262 : i32
        %sub3A_264 = arith.constant 2 : i32
        %sub3A_265 = arith.subi %add3A_263, %sub3A_264 : i32
        %add3A_266 = arith.addi %mul3A_149, %sub3A_265 : i32
        %dma_wait3A_267 = arith.constant 0 : i32
        %dma_wait3A_268 = tpu.memref_slice %arg6[%add3A_266, %mul3A_167, %dma_wait3A_267] : memref<50x160x1024xf32, #tpu.memory_space<hbm>> -> memref<1x40x1024xf32, #tpu.memory_space<hbm>>
        %dma_wait3A_269 = arith.constant 0 : i32
        %dma_wait3A_270 = tpu.memref_slice %arg6[%add3A_266, %mul3A_167, %dma_wait3A_269] : memref<50x160x1024xf32, #tpu.memory_space<hbm>> -> memref<1x40x1024xf32, #tpu.memory_space<hbm>>
        tpu.wait_dma2 semaphore(%arg14 : memref<!tpu.dma_semaphore, #tpu.memory_space<semaphore_mem>>) src(%arg12 : memref<1x40x1024xf32, #tpu.memory_space<vmem>>) dst(%dma_wait3A_270 : memref<1x40x1024xf32, #tpu.memory_space<hbm>>)
        %sub3A_271 = arith.constant 2 : i32
        %sub3A_272 = arith.subi %add3A_263, %sub3A_271 : i32
        %scan3A_273 = arith.constant 0 : i32
        %scan3A_274 = arith.constant 0 : i32
        %scan3A_275 = arith.constant 64 : i32
        %scan3A_276 = arith.addi %scan3A_274, %scan3A_275 : i32
        %scan3A_277 = arith.constant 1 : i32
        %scan3A_278 = scf.for %scan3A_286 = %scan3A_274 to %scan3A_276 step %scan3A_277 iter_args(%scan3A_287 = %scan3A_273) -> (i32)  : i32 {
          %mul3A_288 = arith.constant 16 : i32
          %mul3A_289 = arith.muli %scan3A_286, %mul3A_288 : i32
          %add3A_290 = vector.broadcast %mul3A_289 : i32 to vector<16xi32>
          %add3A_291 = arith.addi %iota3A, %add3A_290 : vector<16xi32>
          %mul3A_292 = arith.constant 1024 : i32
          %mul3A_293 = arith.muli %sub3A_272, %mul3A_292 : i32
          %mul3A_294 = arith.constant 16 : i32
          %mul3A_295 = arith.muli %scan3A_286, %mul3A_294 : i32
          %add3A_296 = arith.addi %mul3A_293, %mul3A_295 : i32
          %get3A = arith.index_cast %add3A_296 : i32 to index
          %get3A_297 = tpu.vector_load %arg9[%get3A] {strides = array<i32>} : memref<25600xi32, #tpu.memory_space<vmem>>, vector<16xi32>,
          %sub3A_298 = vector.broadcast %mul3A_167 : i32 to vector<16xi32>
          %sub3A_299 = arith.subi %get3A_297, %sub3A_298 : vector<16xi32>
          %ge3A = arith.constant 0 : i32
          %ge3A_300 = vector.broadcast %ge3A : i32 to vector<16xi32>
          %ge3A_301 = arith.cmpi sge, %sub3A_299, %ge3A_300 : vector<16xi32>
          %lt3A_302 = arith.constant 40 : i32
          %lt3A_303 = vector.broadcast %lt3A_302 : i32 to vector<16xi32>
          %lt3A_304 = arith.cmpi slt, %sub3A_299, %lt3A_303 : vector<16xi32>
          %and3A_305 = arith.andi %ge3A_301, %lt3A_304 : vector<16xi1>
          tpu.vector_store_idx %arg12[%broadcast_in_dim3A_3, %sub3A_299, %add3A_291], %broadcast_in_dim3A_1 masked %and3A_305 : memref<1x40x1024xf32, #tpu.memory_space<vmem>>[vector<16xi32>, vector<16xi32>, vector<16xi32>], vector<16xf32>, vector<16xi1>
          %mul3A_306 = arith.constant 1024 : i32
          %mul3A_307 = arith.muli %add3A_263, %mul3A_306 : i32
          %mul3A_308 = arith.constant 16 : i32
          %mul3A_309 = arith.muli %scan3A_286, %mul3A_308 : i32
          %add3A_310 = arith.addi %mul3A_307, %mul3A_309 : i32
          %get3A_311 = arith.index_cast %add3A_310 : i32 to index
          %get3A_312 = tpu.vector_load %arg9[%get3A_311] {strides = array<i32>} : memref<25600xi32, #tpu.memory_space<vmem>>, vector<16xi32>,
          %sub3A_313 = vector.broadcast %mul3A_167 : i32 to vector<16xi32>
          %sub3A_314 = arith.subi %get3A_312, %sub3A_313 : vector<16xi32>
          %ge3A_315 = arith.constant 0 : i32
          %ge3A_316 = vector.broadcast %ge3A_315 : i32 to vector<16xi32>
          %ge3A_317 = arith.cmpi sge, %sub3A_314, %ge3A_316 : vector<16xi32>
          %lt3A_318 = arith.constant 40 : i32
          %lt3A_319 = vector.broadcast %lt3A_318 : i32 to vector<16xi32>
          %lt3A_320 = arith.cmpi slt, %sub3A_314, %lt3A_319 : vector<16xi32>
          %and3A_321 = arith.andi %ge3A_317, %lt3A_320 : vector<16xi1>
          %gather3A = tpu.vector_load_idx %arg10[%get3A_312] masked %and3A_321 : memref<160xf32, #tpu.memory_space<vmem>>[vector<16xi32>], vector<16xf32>, vector<16xi1>
          tpu.vector_store_idx %arg12[%broadcast_in_dim3A_3, %sub3A_314, %add3A_291], %gather3A masked %and3A_321 : memref<1x40x1024xf32, #tpu.memory_space<vmem>>[vector<16xi32>, vector<16xi32>, vector<16xi32>], vector<16xf32>, vector<16xi1>
          %scan3A_322 = arith.constant 0 : i32
          scf.yield %scan3A_322 : i32
        }
        %scan3A_279 = arith.constant 64 : i32
        %add3A_280 = arith.addi %mul3A_149, %add3A_263 : i32
        %dma_start3A_281 = arith.constant 0 : i32
        %dma_start3A_282 = tpu.memref_slice %arg6[%add3A_280, %mul3A_167, %dma_start3A_281] : memref<50x160x1024xf32, #tpu.memory_space<hbm>> -> memref<1x40x1024xf32, #tpu.memory_space<hbm>>
        %dma_start3A_283 = arith.constant 0 : i32
        %dma_start3A_284 = tpu.memref_slice %arg6[%add3A_280, %mul3A_167, %dma_start3A_283] : memref<50x160x1024xf32, #tpu.memory_space<hbm>> -> memref<1x40x1024xf32, #tpu.memory_space<hbm>>
        tpu.enqueue_dma source(%arg12 : memref<1x40x1024xf32, #tpu.memory_space<vmem>>) target(%dma_start3A_284 : memref<1x40x1024xf32, #tpu.memory_space<hbm>>) target_semaphore(%arg14 : memref<!tpu.dma_semaphore, #tpu.memory_space<semaphore_mem>>)
        %scan3A_285 = arith.constant 0 : i32
        scf.yield %scan3A_285 : i32
      }
      %scan3A_202 = arith.constant 11 : i32
      %add3A_203 = arith.constant 22 : i32
      %add3A_204 = arith.addi %mul3A_149, %add3A_203 : i32
      %dma_wait3A = arith.constant 0 : i32
      %dma_wait3A_205 = tpu.memref_slice %arg6[%add3A_204, %mul3A_167, %dma_wait3A] : memref<50x160x1024xf32, #tpu.memory_space<hbm>> -> memref<1x40x1024xf32, #tpu.memory_space<hbm>>
      %dma_wait3A_206 = arith.constant 0 : i32
      %dma_wait3A_207 = tpu.memref_slice %arg6[%add3A_204, %mul3A_167, %dma_wait3A_206] : memref<50x160x1024xf32, #tpu.memory_space<hbm>> -> memref<1x40x1024xf32, #tpu.memory_space<hbm>>
      tpu.wait_dma2 semaphore(%arg13 : memref<!tpu.dma_semaphore, #tpu.memory_space<semaphore_mem>>) src(%arg11 : memref<1x40x1024xf32, #tpu.memory_space<vmem>>) dst(%dma_wait3A_207 : memref<1x40x1024xf32, #tpu.memory_space<hbm>>)
      %scan3A_208 = arith.constant 0 : i32
      %scan3A_209 = arith.constant 0 : i32
      %scan3A_210 = arith.constant 64 : i32
      %scan3A_211 = arith.addi %scan3A_209, %scan3A_210 : i32
      %scan3A_212 = arith.constant 1 : i32
      %scan3A_213 = scf.for %scan3A_233 = %scan3A_209 to %scan3A_211 step %scan3A_212 iter_args(%scan3A_234 = %scan3A_208) -> (i32)  : i32 {
        %mul3A_235 = arith.constant 16 : i32
        %mul3A_236 = arith.muli %scan3A_233, %mul3A_235 : i32
        %add3A_237 = vector.broadcast %mul3A_236 : i32 to vector<16xi32>
        %add3A_238 = arith.addi %iota3A, %add3A_237 : vector<16xi32>
        %mul3A_239 = arith.constant 16 : i32
        %mul3A_240 = arith.muli %scan3A_233, %mul3A_239 : i32
        %add3A_241 = arith.constant 22528 : i32
        %add3A_242 = arith.addi %add3A_241, %mul3A_240 : i32
        %get3A = arith.index_cast %add3A_242 : i32 to index
        %get3A_243 = tpu.vector_load %arg9[%get3A] {strides = array<i32>} : memref<25600xi32, #tpu.memory_space<vmem>>, vector<16xi32>,
        %sub3A_244 = vector.broadcast %mul3A_167 : i32 to vector<16xi32>
        %sub3A_245 = arith.subi %get3A_243, %sub3A_244 : vector<16xi32>
        %ge3A = arith.constant 0 : i32
        %ge3A_246 = vector.broadcast %ge3A : i32 to vector<16xi32>
        %ge3A_247 = arith.cmpi sge, %sub3A_245, %ge3A_246 : vector<16xi32>
        %lt3A_248 = arith.constant 40 : i32
        %lt3A_249 = vector.broadcast %lt3A_248 : i32 to vector<16xi32>
        %lt3A_250 = arith.cmpi slt, %sub3A_245, %lt3A_249 : vector<16xi32>
        %and3A_251 = arith.andi %ge3A_247, %lt3A_250 : vector<16xi1>
        tpu.vector_store_idx %arg11[%broadcast_in_dim3A_3, %sub3A_245, %add3A_238], %broadcast_in_dim3A_1 masked %and3A_251 : memref<1x40x1024xf32, #tpu.memory_space<vmem>>[vector<16xi32>, vector<16xi32>, vector<16xi32>], vector<16xf32>, vector<16xi1>
        %mul3A_252 = arith.constant 16 : i32
        %mul3A_253 = arith.muli %scan3A_233, %mul3A_252 : i32
        %add3A_254 = arith.constant 24576 : i32
        %add3A_255 = arith.addi %add3A_254, %mul3A_253 : i32
        %get3A_256 = arith.index_cast %add3A_255 : i32 to index
        %get3A_257 = tpu.vector_load %arg9[%get3A_256] {strides = array<i32>} : memref<25600xi32, #tpu.memory_space<vmem>>, vector<16xi32>,
        %sub3A_258 = vector.broadcast %mul3A_167 : i32 to vector<16xi32>
        %sub3A_259 = arith.subi %get3A_257, %sub3A_258 : vector<16xi32>
        %ge3A_260 = arith.constant 0 : i32
        %ge3A_261 = vector.broadcast %ge3A_260 : i32 to vector<16xi32>
        %ge3A_262 = arith.cmpi sge, %sub3A_259, %ge3A_261 : vector<16xi32>
        %lt3A_263 = arith.constant 40 : i32
        %lt3A_264 = vector.broadcast %lt3A_263 : i32 to vector<16xi32>
        %lt3A_265 = arith.cmpi slt, %sub3A_259, %lt3A_264 : vector<16xi32>
        %and3A_266 = arith.andi %ge3A_262, %lt3A_265 : vector<16xi1>
        %gather3A = tpu.vector_load_idx %arg10[%get3A_257] masked %and3A_266 : memref<160xf32, #tpu.memory_space<vmem>>[vector<16xi32>], vector<16xf32>, vector<16xi1>
        tpu.vector_store_idx %arg11[%broadcast_in_dim3A_3, %sub3A_259, %add3A_238], %gather3A masked %and3A_266 : memref<1x40x1024xf32, #tpu.memory_space<vmem>>[vector<16xi32>, vector<16xi32>, vector<16xi32>], vector<16xf32>, vector<16xi1>
        %scan3A_267 = arith.constant 0 : i32
        scf.yield %scan3A_267 : i32
      }
      %scan3A_214 = arith.constant 64 : i32
      %add3A_215 = arith.constant 24 : i32
      %add3A_216 = arith.addi %mul3A_149, %add3A_215 : i32
      %dma_start3A_217 = arith.constant 0 : i32
      %dma_start3A_218 = tpu.memref_slice %arg6[%add3A_216, %mul3A_167, %dma_start3A_217] : memref<50x160x1024xf32, #tpu.memory_space<hbm>> -> memref<1x40x1024xf32, #tpu.memory_space<hbm>>
      %dma_start3A_219 = arith.constant 0 : i32
      %dma_start3A_220 = tpu.memref_slice %arg6[%add3A_216, %mul3A_167, %dma_start3A_219] : memref<50x160x1024xf32, #tpu.memory_space<hbm>> -> memref<1x40x1024xf32, #tpu.memory_space<hbm>>
      tpu.enqueue_dma source(%arg11 : memref<1x40x1024xf32, #tpu.memory_space<vmem>>) target(%dma_start3A_220 : memref<1x40x1024xf32, #tpu.memory_space<hbm>>) target_semaphore(%arg13 : memref<!tpu.dma_semaphore, #tpu.memory_space<semaphore_mem>>)
      %add3A_221 = arith.constant 23 : i32
      %add3A_222 = arith.addi %mul3A_149, %add3A_221 : i32
      %dma_wait3A_223 = arith.constant 0 : i32
      %dma_wait3A_224 = tpu.memref_slice %arg6[%add3A_222, %mul3A_167, %dma_wait3A_223] : memref<50x160x1024xf32, #tpu.memory_space<hbm>> -> memref<1x40x1024xf32, #tpu.memory_space<hbm>>
      %dma_wait3A_225 = arith.constant 0 : i32
      %dma_wait3A_226 = tpu.memref_slice %arg6[%add3A_222, %mul3A_167, %dma_wait3A_225] : memref<50x160x1024xf32, #tpu.memory_space<hbm>> -> memref<1x40x1024xf32, #tpu.memory_space<hbm>>
      tpu.wait_dma2 semaphore(%arg14 : memref<!tpu.dma_semaphore, #tpu.memory_space<semaphore_mem>>) src(%arg12 : memref<1x40x1024xf32, #tpu.memory_space<vmem>>) dst(%dma_wait3A_226 : memref<1x40x1024xf32, #tpu.memory_space<hbm>>)
      %add3A_227 = arith.constant 24 : i32
      %add3A_228 = arith.addi %mul3A_149, %add3A_227 : i32
      %dma_wait3A_229 = arith.constant 0 : i32
      %dma_wait3A_230 = tpu.memref_slice %arg6[%add3A_228, %mul3A_167, %dma_wait3A_229] : memref<50x160x1024xf32, #tpu.memory_space<hbm>> -> memref<1x40x1024xf32, #tpu.memory_space<hbm>>
      %dma_wait3A_231 = arith.constant 0 : i32
      %dma_wait3A_232 = tpu.memref_slice %arg6[%add3A_228, %mul3A_167, %dma_wait3A_231] : memref<50x160x1024xf32, #tpu.memory_space<hbm>> -> memref<1x40x1024xf32, #tpu.memory_space<hbm>>
      tpu.wait_dma2 semaphore(%arg13 : memref<!tpu.dma_semaphore, #tpu.memory_space<semaphore_mem>>) src(%arg11 : memref<1x40x1024xf32, #tpu.memory_space<vmem>>) dst(%dma_wait3A_232 : memref<1x40x1024xf32, #tpu.memory_space<hbm>>)
    } else {
    }
    %jit3A_51 = arith.constant 8 : i32
    %div3A_52 = arith.divsi %add3A, %jit3A_51 : i32
    %sign3A_53 = arith.constant 0 : i32
    %sign3A_54 = arith.cmpi sgt, %add3A, %sign3A_53 : i32
    %sign3A_55 = arith.extui %sign3A_54 : i1 to i32
    %sign3A_56 = arith.constant 0 : i32
    %sign3A_57 = arith.cmpi slt, %add3A, %sign3A_56 : i32
    %sign3A_58 = arith.extui %sign3A_57 : i1 to i32
    %sign3A_59 = arith.subi %sign3A_55, %sign3A_58 : i32
    %sign3A_60 = arith.constant 0 : i32
    %sign3A_61 = arith.cmpi sgt, %jit3A_51, %sign3A_60 : i32
    %sign3A_62 = arith.extui %sign3A_61 : i1 to i32
    %sign3A_63 = arith.constant 0 : i32
    %sign3A_64 = arith.cmpi slt, %jit3A_51, %sign3A_63 : i32
    %sign3A_65 = arith.extui %sign3A_64 : i1 to i32
    %sign3A_66 = arith.subi %sign3A_62, %sign3A_65 : i32
    %ne3A_67 = arith.cmpi ne, %sign3A_59, %sign3A_66 : i32
    %rem3A_68 = arith.remsi %add3A, %jit3A_51 : i32
    %ne3A_69 = arith.constant 0 : i32
    %ne3A_70 = arith.cmpi ne, %rem3A_68, %ne3A_69 : i32
    %and3A_71 = arith.andi %ne3A_67, %ne3A_70 : i1
    %sub3A_72 = arith.constant 1 : i32
    %sub3A_73 = arith.subi %div3A_52, %sub3A_72 : i32
    %select_n3A_74 = arith.select %and3A_71, %sub3A_73, %div3A_52 : i32
    %eq3A_75 = arith.constant 2 : i32
    %eq3A_76 = arith.cmpi eq, %select_n3A_74, %eq3A_75 : i32
    %convert_element_type3A_77 = arith.extui %eq3A_76 : i1 to i32
    %cond3A_78 = arith.constant 0 : i32
    %cond3A_79 = arith.cmpi ne, %convert_element_type3A_77, %cond3A_78 : i32
    scf.if %cond3A_79 {
      %jit3A_109 = arith.constant 8 : i32
      %eq3A_110 = arith.constant 0 : i32
      %eq3A_111 = arith.cmpi eq, %jit3A_109, %eq3A_110 : i32
      %jit3A_112 = arith.constant 1 : i32
      %select_n3A_113 = arith.select %eq3A_111, %jit3A_112, %jit3A_109 : i32
      %rem3A_114 = arith.remsi %add3A, %select_n3A_113 : i32
      %ne3A_115 = arith.constant 0 : i32
      %ne3A_116 = arith.cmpi ne, %rem3A_114, %ne3A_115 : i32
      %lt3A = arith.constant 0 : i32
      %lt3A_117 = arith.cmpi slt, %rem3A_114, %lt3A : i32
      %lt3A_118 = arith.constant 0 : i32
      %lt3A_119 = arith.cmpi slt, %select_n3A_113, %lt3A_118 : i32
      %ne3A_120 = arith.xori %lt3A_117, %lt3A_119 : i1
      %and3A_121 = arith.andi %ne3A_120, %ne3A_116 : i1
      %add3A_122 = arith.addi %rem3A_114, %select_n3A_113 : i32
      %select_n3A_123 = arith.select %and3A_121, %add3A_122, %rem3A_114 : i32
      %jit3A_124 = arith.constant 4 : i32
      %div3A_125 = arith.divsi %select_n3A_123, %jit3A_124 : i32
      %sign3A_126 = arith.constant 0 : i32
      %sign3A_127 = arith.cmpi sgt, %select_n3A_123, %sign3A_126 : i32
      %sign3A_128 = arith.extui %sign3A_127 : i1 to i32
      %sign3A_129 = arith.constant 0 : i32
      %sign3A_130 = arith.cmpi slt, %select_n3A_123, %sign3A_129 : i32
      %sign3A_131 = arith.extui %sign3A_130 : i1 to i32
      %sign3A_132 = arith.subi %sign3A_128, %sign3A_131 : i32
      %sign3A_133 = arith.constant 0 : i32
      %sign3A_134 = arith.cmpi sgt, %jit3A_124, %sign3A_133 : i32
      %sign3A_135 = arith.extui %sign3A_134 : i1 to i32
      %sign3A_136 = arith.constant 0 : i32
      %sign3A_137 = arith.cmpi slt, %jit3A_124, %sign3A_136 : i32
      %sign3A_138 = arith.extui %sign3A_137 : i1 to i32
      %sign3A_139 = arith.subi %sign3A_135, %sign3A_138 : i32
      %ne3A_140 = arith.cmpi ne, %sign3A_132, %sign3A_139 : i32
      %rem3A_141 = arith.remsi %select_n3A_123, %jit3A_124 : i32
      %ne3A_142 = arith.constant 0 : i32
      %ne3A_143 = arith.cmpi ne, %rem3A_141, %ne3A_142 : i32
      %and3A_144 = arith.andi %ne3A_140, %ne3A_143 : i1
      %sub3A_145 = arith.constant 1 : i32
      %sub3A_146 = arith.subi %div3A_125, %sub3A_145 : i32
      %select_n3A_147 = arith.select %and3A_144, %sub3A_146, %div3A_125 : i32
      %mul3A_148 = arith.constant 25 : i32
      %mul3A_149 = arith.muli %select_n3A_147, %mul3A_148 : i32
      %jit3A_150 = arith.constant 4 : i32
      %eq3A_151 = arith.constant 0 : i32
      %eq3A_152 = arith.cmpi eq, %jit3A_150, %eq3A_151 : i32
      %jit3A_153 = arith.constant 1 : i32
      %select_n3A_154 = arith.select %eq3A_152, %jit3A_153, %jit3A_150 : i32
      %rem3A_155 = arith.remsi %select_n3A_123, %select_n3A_154 : i32
      %ne3A_156 = arith.constant 0 : i32
      %ne3A_157 = arith.cmpi ne, %rem3A_155, %ne3A_156 : i32
      %lt3A_158 = arith.constant 0 : i32
      %lt3A_159 = arith.cmpi slt, %rem3A_155, %lt3A_158 : i32
      %lt3A_160 = arith.constant 0 : i32
      %lt3A_161 = arith.cmpi slt, %select_n3A_154, %lt3A_160 : i32
      %ne3A_162 = arith.xori %lt3A_159, %lt3A_161 : i1
      %and3A_163 = arith.andi %ne3A_162, %ne3A_157 : i1
      %add3A_164 = arith.addi %rem3A_155, %select_n3A_154 : i32
      %select_n3A_165 = arith.select %and3A_163, %add3A_164, %rem3A_155 : i32
      %mul3A_166 = arith.constant 40 : i32
      %mul3A_167 = arith.muli %select_n3A_165, %mul3A_166 : i32
      %add3A_168 = arith.constant 100 : i32
      %add3A_169 = arith.addi %add3A_168, %mul3A_149 : i32
      %mul3A_170 = arith.constant 1024 : i32
      %mul3A_171 = arith.muli %add3A_169, %mul3A_170 : i32
      "tpu.region"() ({
        %run_scoped3A = tpu.sem_alloc : memref<!tpu.dma_semaphore, #tpu.memory_space<semaphore_mem>>
        %dma_start3A_233 = tpu.memref_slice %arg2[%mul3A_171] : memref<204800xi32, #tpu.memory_space<hbm>> -> memref<25600xi32, #tpu.memory_space<hbm>>
        %dma_start3A_234 = tpu.memref_slice %arg2[%mul3A_171] : memref<204800xi32, #tpu.memory_space<hbm>> -> memref<25600xi32, #tpu.memory_space<hbm>>
        tpu.enqueue_dma source(%dma_start3A_234 : memref<25600xi32, #tpu.memory_space<hbm>>) target(%arg9 : memref<25600xi32, #tpu.memory_space<vmem>>) target_semaphore(%run_scoped3A : memref<!tpu.dma_semaphore, #tpu.memory_space<semaphore_mem>>)
        %dma_wait3A_235 = tpu.memref_slice %arg2[%mul3A_171] : memref<204800xi32, #tpu.memory_space<hbm>> -> memref<25600xi32, #tpu.memory_space<hbm>>
        %dma_wait3A_236 = tpu.memref_slice %arg2[%mul3A_171] : memref<204800xi32, #tpu.memory_space<hbm>> -> memref<25600xi32, #tpu.memory_space<hbm>>
        tpu.wait_dma2 semaphore(%run_scoped3A : memref<!tpu.dma_semaphore, #tpu.memory_space<semaphore_mem>>) src(%dma_wait3A_236 : memref<25600xi32, #tpu.memory_space<hbm>>) dst(%arg9 : memref<25600xi32, #tpu.memory_space<vmem>>)
        tpu.yield
      }) : () -> ()
      "tpu.region"() ({
        %run_scoped3A = tpu.sem_alloc : memref<!tpu.dma_semaphore, #tpu.memory_space<semaphore_mem>>
        tpu.enqueue_dma source(%arg3 : memref<160xf32, #tpu.memory_space<hbm>>) target(%arg10 : memref<160xf32, #tpu.memory_space<vmem>>) target_semaphore(%run_scoped3A : memref<!tpu.dma_semaphore, #tpu.memory_space<semaphore_mem>>)
        tpu.wait_dma2 semaphore(%run_scoped3A : memref<!tpu.dma_semaphore, #tpu.memory_space<semaphore_mem>>) src(%arg3 : memref<160xf32, #tpu.memory_space<hbm>>) dst(%arg10 : memref<160xf32, #tpu.memory_space<vmem>>)
        tpu.yield
      }) : () -> ()
      "tpu.region"() ({
        %run_scoped3A = tpu.sem_alloc : memref<!tpu.dma_semaphore, #tpu.memory_space<semaphore_mem>>
        tpu.enqueue_dma source(%arg4 : memref<1x40x1024xf32, #tpu.memory_space<hbm>>) target(%arg11 : memref<1x40x1024xf32, #tpu.memory_space<vmem>>) target_semaphore(%run_scoped3A : memref<!tpu.dma_semaphore, #tpu.memory_space<semaphore_mem>>)
        tpu.wait_dma2 semaphore(%run_scoped3A : memref<!tpu.dma_semaphore, #tpu.memory_space<semaphore_mem>>) src(%arg4 : memref<1x40x1024xf32, #tpu.memory_space<hbm>>) dst(%arg11 : memref<1x40x1024xf32, #tpu.memory_space<vmem>>)
        tpu.yield
      }) : () -> ()
      "tpu.region"() ({
        %run_scoped3A = tpu.sem_alloc : memref<!tpu.dma_semaphore, #tpu.memory_space<semaphore_mem>>
        tpu.enqueue_dma source(%arg4 : memref<1x40x1024xf32, #tpu.memory_space<hbm>>) target(%arg12 : memref<1x40x1024xf32, #tpu.memory_space<vmem>>) target_semaphore(%run_scoped3A : memref<!tpu.dma_semaphore, #tpu.memory_space<semaphore_mem>>)
        tpu.wait_dma2 semaphore(%run_scoped3A : memref<!tpu.dma_semaphore, #tpu.memory_space<semaphore_mem>>) src(%arg4 : memref<1x40x1024xf32, #tpu.memory_space<hbm>>) dst(%arg12 : memref<1x40x1024xf32, #tpu.memory_space<vmem>>)
        tpu.yield
      }) : () -> ()
      %scan3A = arith.constant 0 : i32
      %scan3A_172 = arith.constant 0 : i32
      %scan3A_173 = arith.constant 64 : i32
      %scan3A_174 = arith.addi %scan3A_172, %scan3A_173 : i32
      %scan3A_175 = arith.constant 1 : i32
      %scan3A_176 = scf.for %scan3A_233 = %scan3A_172 to %scan3A_174 step %scan3A_175 iter_args(%scan3A_234 = %scan3A) -> (i32)  : i32 {
        %mul3A_235 = arith.constant 16 : i32
        %mul3A_236 = arith.muli %scan3A_233, %mul3A_235 : i32
        %add3A_237 = vector.broadcast %mul3A_236 : i32 to vector<16xi32>
        %add3A_238 = arith.addi %iota3A, %add3A_237 : vector<16xi32>
        %mul3A_239 = arith.constant 16 : i32
        %mul3A_240 = arith.muli %scan3A_233, %mul3A_239 : i32
        %add3A_241 = arith.constant 0 : i32
        %add3A_242 = arith.addi %add3A_241, %mul3A_240 : i32
        %get3A = arith.index_cast %add3A_242 : i32 to index
        %get3A_243 = tpu.vector_load %arg9[%get3A] {strides = array<i32>} : memref<25600xi32, #tpu.memory_space<vmem>>, vector<16xi32>,
        %sub3A_244 = vector.broadcast %mul3A_167 : i32 to vector<16xi32>
        %sub3A_245 = arith.subi %get3A_243, %sub3A_244 : vector<16xi32>
        %ge3A = arith.constant 0 : i32
        %ge3A_246 = vector.broadcast %ge3A : i32 to vector<16xi32>
        %ge3A_247 = arith.cmpi sge, %sub3A_245, %ge3A_246 : vector<16xi32>
        %lt3A_248 = arith.constant 40 : i32
        %lt3A_249 = vector.broadcast %lt3A_248 : i32 to vector<16xi32>
        %lt3A_250 = arith.cmpi slt, %sub3A_245, %lt3A_249 : vector<16xi32>
        %and3A_251 = arith.andi %ge3A_247, %lt3A_250 : vector<16xi1>
        %gather3A = tpu.vector_load_idx %arg10[%get3A_243] masked %and3A_251 : memref<160xf32, #tpu.memory_space<vmem>>[vector<16xi32>], vector<16xf32>, vector<16xi1>
        tpu.vector_store_idx %arg11[%broadcast_in_dim3A_3, %sub3A_245, %add3A_238], %gather3A masked %and3A_251 : memref<1x40x1024xf32, #tpu.memory_space<vmem>>[vector<16xi32>, vector<16xi32>, vector<16xi32>], vector<16xf32>, vector<16xi1>
        %scan3A_252 = arith.constant 0 : i32
        scf.yield %scan3A_252 : i32
      }
      %scan3A_177 = arith.constant 64 : i32
      %add3A_178 = arith.constant 0 : i32
      %add3A_179 = arith.addi %mul3A_149, %add3A_178 : i32
      %dma_start3A = arith.constant 0 : i32
      %dma_start3A_180 = tpu.memref_slice %arg7[%add3A_179, %mul3A_167, %dma_start3A] : memref<50x160x1024xf32, #tpu.memory_space<hbm>> -> memref<1x40x1024xf32, #tpu.memory_space<hbm>>
      %dma_start3A_181 = arith.constant 0 : i32
      %dma_start3A_182 = tpu.memref_slice %arg7[%add3A_179, %mul3A_167, %dma_start3A_181] : memref<50x160x1024xf32, #tpu.memory_space<hbm>> -> memref<1x40x1024xf32, #tpu.memory_space<hbm>>
      tpu.enqueue_dma source(%arg11 : memref<1x40x1024xf32, #tpu.memory_space<vmem>>) target(%dma_start3A_182 : memref<1x40x1024xf32, #tpu.memory_space<hbm>>) target_semaphore(%arg13 : memref<!tpu.dma_semaphore, #tpu.memory_space<semaphore_mem>>)
      %scan3A_183 = arith.constant 0 : i32
      %scan3A_184 = arith.constant 0 : i32
      %scan3A_185 = arith.constant 64 : i32
      %scan3A_186 = arith.addi %scan3A_184, %scan3A_185 : i32
      %scan3A_187 = arith.constant 1 : i32
      %scan3A_188 = scf.for %scan3A_233 = %scan3A_184 to %scan3A_186 step %scan3A_187 iter_args(%scan3A_234 = %scan3A_183) -> (i32)  : i32 {
        %mul3A_235 = arith.constant 16 : i32
        %mul3A_236 = arith.muli %scan3A_233, %mul3A_235 : i32
        %add3A_237 = vector.broadcast %mul3A_236 : i32 to vector<16xi32>
        %add3A_238 = arith.addi %iota3A, %add3A_237 : vector<16xi32>
        %mul3A_239 = arith.constant 16 : i32
        %mul3A_240 = arith.muli %scan3A_233, %mul3A_239 : i32
        %add3A_241 = arith.constant 1024 : i32
        %add3A_242 = arith.addi %add3A_241, %mul3A_240 : i32
        %get3A = arith.index_cast %add3A_242 : i32 to index
        %get3A_243 = tpu.vector_load %arg9[%get3A] {strides = array<i32>} : memref<25600xi32, #tpu.memory_space<vmem>>, vector<16xi32>,
        %sub3A_244 = vector.broadcast %mul3A_167 : i32 to vector<16xi32>
        %sub3A_245 = arith.subi %get3A_243, %sub3A_244 : vector<16xi32>
        %ge3A = arith.constant 0 : i32
        %ge3A_246 = vector.broadcast %ge3A : i32 to vector<16xi32>
        %ge3A_247 = arith.cmpi sge, %sub3A_245, %ge3A_246 : vector<16xi32>
        %lt3A_248 = arith.constant 40 : i32
        %lt3A_249 = vector.broadcast %lt3A_248 : i32 to vector<16xi32>
        %lt3A_250 = arith.cmpi slt, %sub3A_245, %lt3A_249 : vector<16xi32>
        %and3A_251 = arith.andi %ge3A_247, %lt3A_250 : vector<16xi1>
        %gather3A = tpu.vector_load_idx %arg10[%get3A_243] masked %and3A_251 : memref<160xf32, #tpu.memory_space<vmem>>[vector<16xi32>], vector<16xf32>, vector<16xi1>
        tpu.vector_store_idx %arg12[%broadcast_in_dim3A_3, %sub3A_245, %add3A_238], %gather3A masked %and3A_251 : memref<1x40x1024xf32, #tpu.memory_space<vmem>>[vector<16xi32>, vector<16xi32>, vector<16xi32>], vector<16xf32>, vector<16xi1>
        %scan3A_252 = arith.constant 0 : i32
        scf.yield %scan3A_252 : i32
      }
      %scan3A_189 = arith.constant 64 : i32
      %add3A_190 = arith.constant 1 : i32
      %add3A_191 = arith.addi %mul3A_149, %add3A_190 : i32
      %dma_start3A_192 = arith.constant 0 : i32
      %dma_start3A_193 = tpu.memref_slice %arg7[%add3A_191, %mul3A_167, %dma_start3A_192] : memref<50x160x1024xf32, #tpu.memory_space<hbm>> -> memref<1x40x1024xf32, #tpu.memory_space<hbm>>
      %dma_start3A_194 = arith.constant 0 : i32
      %dma_start3A_195 = tpu.memref_slice %arg7[%add3A_191, %mul3A_167, %dma_start3A_194] : memref<50x160x1024xf32, #tpu.memory_space<hbm>> -> memref<1x40x1024xf32, #tpu.memory_space<hbm>>
      tpu.enqueue_dma source(%arg12 : memref<1x40x1024xf32, #tpu.memory_space<vmem>>) target(%dma_start3A_195 : memref<1x40x1024xf32, #tpu.memory_space<hbm>>) target_semaphore(%arg14 : memref<!tpu.dma_semaphore, #tpu.memory_space<semaphore_mem>>)
      %scan3A_196 = arith.constant 0 : i32
      %scan3A_197 = arith.constant 1 : i32
      %scan3A_198 = arith.constant 11 : i32
      %scan3A_199 = arith.addi %scan3A_197, %scan3A_198 : i32
      %scan3A_200 = arith.constant 1 : i32
      %scan3A_201 = scf.for %scan3A_233 = %scan3A_197 to %scan3A_199 step %scan3A_200 iter_args(%scan3A_234 = %scan3A_196) -> (i32)  : i32 {
        %mul3A_235 = arith.constant 2 : i32
        %mul3A_236 = arith.muli %scan3A_233, %mul3A_235 : i32
        %add3A_237 = arith.constant 0 : i32
        %add3A_238 = arith.addi %mul3A_236, %add3A_237 : i32
        %sub3A_239 = arith.constant 2 : i32
        %sub3A_240 = arith.subi %add3A_238, %sub3A_239 : i32
        %add3A_241 = arith.addi %mul3A_149, %sub3A_240 : i32
        %dma_wait3A_242 = arith.constant 0 : i32
        %dma_wait3A_243 = tpu.memref_slice %arg7[%add3A_241, %mul3A_167, %dma_wait3A_242] : memref<50x160x1024xf32, #tpu.memory_space<hbm>> -> memref<1x40x1024xf32, #tpu.memory_space<hbm>>
        %dma_wait3A_244 = arith.constant 0 : i32
        %dma_wait3A_245 = tpu.memref_slice %arg7[%add3A_241, %mul3A_167, %dma_wait3A_244] : memref<50x160x1024xf32, #tpu.memory_space<hbm>> -> memref<1x40x1024xf32, #tpu.memory_space<hbm>>
        tpu.wait_dma2 semaphore(%arg13 : memref<!tpu.dma_semaphore, #tpu.memory_space<semaphore_mem>>) src(%arg11 : memref<1x40x1024xf32, #tpu.memory_space<vmem>>) dst(%dma_wait3A_245 : memref<1x40x1024xf32, #tpu.memory_space<hbm>>)
        %sub3A_246 = arith.constant 2 : i32
        %sub3A_247 = arith.subi %add3A_238, %sub3A_246 : i32
        %scan3A_248 = arith.constant 0 : i32
        %scan3A_249 = arith.constant 0 : i32
        %scan3A_250 = arith.constant 64 : i32
        %scan3A_251 = arith.addi %scan3A_249, %scan3A_250 : i32
        %scan3A_252 = arith.constant 1 : i32
        %scan3A_253 = scf.for %scan3A_286 = %scan3A_249 to %scan3A_251 step %scan3A_252 iter_args(%scan3A_287 = %scan3A_248) -> (i32)  : i32 {
          %mul3A_288 = arith.constant 16 : i32
          %mul3A_289 = arith.muli %scan3A_286, %mul3A_288 : i32
          %add3A_290 = vector.broadcast %mul3A_289 : i32 to vector<16xi32>
          %add3A_291 = arith.addi %iota3A, %add3A_290 : vector<16xi32>
          %mul3A_292 = arith.constant 1024 : i32
          %mul3A_293 = arith.muli %sub3A_247, %mul3A_292 : i32
          %mul3A_294 = arith.constant 16 : i32
          %mul3A_295 = arith.muli %scan3A_286, %mul3A_294 : i32
          %add3A_296 = arith.addi %mul3A_293, %mul3A_295 : i32
          %get3A = arith.index_cast %add3A_296 : i32 to index
          %get3A_297 = tpu.vector_load %arg9[%get3A] {strides = array<i32>} : memref<25600xi32, #tpu.memory_space<vmem>>, vector<16xi32>,
          %sub3A_298 = vector.broadcast %mul3A_167 : i32 to vector<16xi32>
          %sub3A_299 = arith.subi %get3A_297, %sub3A_298 : vector<16xi32>
          %ge3A = arith.constant 0 : i32
          %ge3A_300 = vector.broadcast %ge3A : i32 to vector<16xi32>
          %ge3A_301 = arith.cmpi sge, %sub3A_299, %ge3A_300 : vector<16xi32>
          %lt3A_302 = arith.constant 40 : i32
          %lt3A_303 = vector.broadcast %lt3A_302 : i32 to vector<16xi32>
          %lt3A_304 = arith.cmpi slt, %sub3A_299, %lt3A_303 : vector<16xi32>
          %and3A_305 = arith.andi %ge3A_301, %lt3A_304 : vector<16xi1>
          tpu.vector_store_idx %arg11[%broadcast_in_dim3A_3, %sub3A_299, %add3A_291], %broadcast_in_dim3A_1 masked %and3A_305 : memref<1x40x1024xf32, #tpu.memory_space<vmem>>[vector<16xi32>, vector<16xi32>, vector<16xi32>], vector<16xf32>, vector<16xi1>
          %mul3A_306 = arith.constant 1024 : i32
          %mul3A_307 = arith.muli %add3A_238, %mul3A_306 : i32
          %mul3A_308 = arith.constant 16 : i32
          %mul3A_309 = arith.muli %scan3A_286, %mul3A_308 : i32
          %add3A_310 = arith.addi %mul3A_307, %mul3A_309 : i32
          %get3A_311 = arith.index_cast %add3A_310 : i32 to index
          %get3A_312 = tpu.vector_load %arg9[%get3A_311] {strides = array<i32>} : memref<25600xi32, #tpu.memory_space<vmem>>, vector<16xi32>,
          %sub3A_313 = vector.broadcast %mul3A_167 : i32 to vector<16xi32>
          %sub3A_314 = arith.subi %get3A_312, %sub3A_313 : vector<16xi32>
          %ge3A_315 = arith.constant 0 : i32
          %ge3A_316 = vector.broadcast %ge3A_315 : i32 to vector<16xi32>
          %ge3A_317 = arith.cmpi sge, %sub3A_314, %ge3A_316 : vector<16xi32>
          %lt3A_318 = arith.constant 40 : i32
          %lt3A_319 = vector.broadcast %lt3A_318 : i32 to vector<16xi32>
          %lt3A_320 = arith.cmpi slt, %sub3A_314, %lt3A_319 : vector<16xi32>
          %and3A_321 = arith.andi %ge3A_317, %lt3A_320 : vector<16xi1>
          %gather3A = tpu.vector_load_idx %arg10[%get3A_312] masked %and3A_321 : memref<160xf32, #tpu.memory_space<vmem>>[vector<16xi32>], vector<16xf32>, vector<16xi1>
          tpu.vector_store_idx %arg11[%broadcast_in_dim3A_3, %sub3A_314, %add3A_291], %gather3A masked %and3A_321 : memref<1x40x1024xf32, #tpu.memory_space<vmem>>[vector<16xi32>, vector<16xi32>, vector<16xi32>], vector<16xf32>, vector<16xi1>
          %scan3A_322 = arith.constant 0 : i32
          scf.yield %scan3A_322 : i32
        }
        %scan3A_254 = arith.constant 64 : i32
        %add3A_255 = arith.addi %mul3A_149, %add3A_238 : i32
        %dma_start3A_256 = arith.constant 0 : i32
        %dma_start3A_257 = tpu.memref_slice %arg7[%add3A_255, %mul3A_167, %dma_start3A_256] : memref<50x160x1024xf32, #tpu.memory_space<hbm>> -> memref<1x40x1024xf32, #tpu.memory_space<hbm>>
        %dma_start3A_258 = arith.constant 0 : i32
        %dma_start3A_259 = tpu.memref_slice %arg7[%add3A_255, %mul3A_167, %dma_start3A_258] : memref<50x160x1024xf32, #tpu.memory_space<hbm>> -> memref<1x40x1024xf32, #tpu.memory_space<hbm>>
        tpu.enqueue_dma source(%arg11 : memref<1x40x1024xf32, #tpu.memory_space<vmem>>) target(%dma_start3A_259 : memref<1x40x1024xf32, #tpu.memory_space<hbm>>) target_semaphore(%arg13 : memref<!tpu.dma_semaphore, #tpu.memory_space<semaphore_mem>>)
        %mul3A_260 = arith.constant 2 : i32
        %mul3A_261 = arith.muli %scan3A_233, %mul3A_260 : i32
        %add3A_262 = arith.constant 1 : i32
        %add3A_263 = arith.addi %mul3A_261, %add3A_262 : i32
        %sub3A_264 = arith.constant 2 : i32
        %sub3A_265 = arith.subi %add3A_263, %sub3A_264 : i32
        %add3A_266 = arith.addi %mul3A_149, %sub3A_265 : i32
        %dma_wait3A_267 = arith.constant 0 : i32
        %dma_wait3A_268 = tpu.memref_slice %arg7[%add3A_266, %mul3A_167, %dma_wait3A_267] : memref<50x160x1024xf32, #tpu.memory_space<hbm>> -> memref<1x40x1024xf32, #tpu.memory_space<hbm>>
        %dma_wait3A_269 = arith.constant 0 : i32
        %dma_wait3A_270 = tpu.memref_slice %arg7[%add3A_266, %mul3A_167, %dma_wait3A_269] : memref<50x160x1024xf32, #tpu.memory_space<hbm>> -> memref<1x40x1024xf32, #tpu.memory_space<hbm>>
        tpu.wait_dma2 semaphore(%arg14 : memref<!tpu.dma_semaphore, #tpu.memory_space<semaphore_mem>>) src(%arg12 : memref<1x40x1024xf32, #tpu.memory_space<vmem>>) dst(%dma_wait3A_270 : memref<1x40x1024xf32, #tpu.memory_space<hbm>>)
        %sub3A_271 = arith.constant 2 : i32
        %sub3A_272 = arith.subi %add3A_263, %sub3A_271 : i32
        %scan3A_273 = arith.constant 0 : i32
        %scan3A_274 = arith.constant 0 : i32
        %scan3A_275 = arith.constant 64 : i32
        %scan3A_276 = arith.addi %scan3A_274, %scan3A_275 : i32
        %scan3A_277 = arith.constant 1 : i32
        %scan3A_278 = scf.for %scan3A_286 = %scan3A_274 to %scan3A_276 step %scan3A_277 iter_args(%scan3A_287 = %scan3A_273) -> (i32)  : i32 {
          %mul3A_288 = arith.constant 16 : i32
          %mul3A_289 = arith.muli %scan3A_286, %mul3A_288 : i32
          %add3A_290 = vector.broadcast %mul3A_289 : i32 to vector<16xi32>
          %add3A_291 = arith.addi %iota3A, %add3A_290 : vector<16xi32>
          %mul3A_292 = arith.constant 1024 : i32
          %mul3A_293 = arith.muli %sub3A_272, %mul3A_292 : i32
          %mul3A_294 = arith.constant 16 : i32
          %mul3A_295 = arith.muli %scan3A_286, %mul3A_294 : i32
          %add3A_296 = arith.addi %mul3A_293, %mul3A_295 : i32
          %get3A = arith.index_cast %add3A_296 : i32 to index
          %get3A_297 = tpu.vector_load %arg9[%get3A] {strides = array<i32>} : memref<25600xi32, #tpu.memory_space<vmem>>, vector<16xi32>,
          %sub3A_298 = vector.broadcast %mul3A_167 : i32 to vector<16xi32>
          %sub3A_299 = arith.subi %get3A_297, %sub3A_298 : vector<16xi32>
          %ge3A = arith.constant 0 : i32
          %ge3A_300 = vector.broadcast %ge3A : i32 to vector<16xi32>
          %ge3A_301 = arith.cmpi sge, %sub3A_299, %ge3A_300 : vector<16xi32>
          %lt3A_302 = arith.constant 40 : i32
          %lt3A_303 = vector.broadcast %lt3A_302 : i32 to vector<16xi32>
          %lt3A_304 = arith.cmpi slt, %sub3A_299, %lt3A_303 : vector<16xi32>
          %and3A_305 = arith.andi %ge3A_301, %lt3A_304 : vector<16xi1>
          tpu.vector_store_idx %arg12[%broadcast_in_dim3A_3, %sub3A_299, %add3A_291], %broadcast_in_dim3A_1 masked %and3A_305 : memref<1x40x1024xf32, #tpu.memory_space<vmem>>[vector<16xi32>, vector<16xi32>, vector<16xi32>], vector<16xf32>, vector<16xi1>
          %mul3A_306 = arith.constant 1024 : i32
          %mul3A_307 = arith.muli %add3A_263, %mul3A_306 : i32
          %mul3A_308 = arith.constant 16 : i32
          %mul3A_309 = arith.muli %scan3A_286, %mul3A_308 : i32
          %add3A_310 = arith.addi %mul3A_307, %mul3A_309 : i32
          %get3A_311 = arith.index_cast %add3A_310 : i32 to index
          %get3A_312 = tpu.vector_load %arg9[%get3A_311] {strides = array<i32>} : memref<25600xi32, #tpu.memory_space<vmem>>, vector<16xi32>,
          %sub3A_313 = vector.broadcast %mul3A_167 : i32 to vector<16xi32>
          %sub3A_314 = arith.subi %get3A_312, %sub3A_313 : vector<16xi32>
          %ge3A_315 = arith.constant 0 : i32
          %ge3A_316 = vector.broadcast %ge3A_315 : i32 to vector<16xi32>
          %ge3A_317 = arith.cmpi sge, %sub3A_314, %ge3A_316 : vector<16xi32>
          %lt3A_318 = arith.constant 40 : i32
          %lt3A_319 = vector.broadcast %lt3A_318 : i32 to vector<16xi32>
          %lt3A_320 = arith.cmpi slt, %sub3A_314, %lt3A_319 : vector<16xi32>
          %and3A_321 = arith.andi %ge3A_317, %lt3A_320 : vector<16xi1>
          %gather3A = tpu.vector_load_idx %arg10[%get3A_312] masked %and3A_321 : memref<160xf32, #tpu.memory_space<vmem>>[vector<16xi32>], vector<16xf32>, vector<16xi1>
          tpu.vector_store_idx %arg12[%broadcast_in_dim3A_3, %sub3A_314, %add3A_291], %gather3A masked %and3A_321 : memref<1x40x1024xf32, #tpu.memory_space<vmem>>[vector<16xi32>, vector<16xi32>, vector<16xi32>], vector<16xf32>, vector<16xi1>
          %scan3A_322 = arith.constant 0 : i32
          scf.yield %scan3A_322 : i32
        }
        %scan3A_279 = arith.constant 64 : i32
        %add3A_280 = arith.addi %mul3A_149, %add3A_263 : i32
        %dma_start3A_281 = arith.constant 0 : i32
        %dma_start3A_282 = tpu.memref_slice %arg7[%add3A_280, %mul3A_167, %dma_start3A_281] : memref<50x160x1024xf32, #tpu.memory_space<hbm>> -> memref<1x40x1024xf32, #tpu.memory_space<hbm>>
        %dma_start3A_283 = arith.constant 0 : i32
        %dma_start3A_284 = tpu.memref_slice %arg7[%add3A_280, %mul3A_167, %dma_start3A_283] : memref<50x160x1024xf32, #tpu.memory_space<hbm>> -> memref<1x40x1024xf32, #tpu.memory_space<hbm>>
        tpu.enqueue_dma source(%arg12 : memref<1x40x1024xf32, #tpu.memory_space<vmem>>) target(%dma_start3A_284 : memref<1x40x1024xf32, #tpu.memory_space<hbm>>) target_semaphore(%arg14 : memref<!tpu.dma_semaphore, #tpu.memory_space<semaphore_mem>>)
        %scan3A_285 = arith.constant 0 : i32
        scf.yield %scan3A_285 : i32
      }
      %scan3A_202 = arith.constant 11 : i32
      %add3A_203 = arith.constant 22 : i32
      %add3A_204 = arith.addi %mul3A_149, %add3A_203 : i32
      %dma_wait3A = arith.constant 0 : i32
      %dma_wait3A_205 = tpu.memref_slice %arg7[%add3A_204, %mul3A_167, %dma_wait3A] : memref<50x160x1024xf32, #tpu.memory_space<hbm>> -> memref<1x40x1024xf32, #tpu.memory_space<hbm>>
      %dma_wait3A_206 = arith.constant 0 : i32
      %dma_wait3A_207 = tpu.memref_slice %arg7[%add3A_204, %mul3A_167, %dma_wait3A_206] : memref<50x160x1024xf32, #tpu.memory_space<hbm>> -> memref<1x40x1024xf32, #tpu.memory_space<hbm>>
      tpu.wait_dma2 semaphore(%arg13 : memref<!tpu.dma_semaphore, #tpu.memory_space<semaphore_mem>>) src(%arg11 : memref<1x40x1024xf32, #tpu.memory_space<vmem>>) dst(%dma_wait3A_207 : memref<1x40x1024xf32, #tpu.memory_space<hbm>>)
      %scan3A_208 = arith.constant 0 : i32
      %scan3A_209 = arith.constant 0 : i32
      %scan3A_210 = arith.constant 64 : i32
      %scan3A_211 = arith.addi %scan3A_209, %scan3A_210 : i32
      %scan3A_212 = arith.constant 1 : i32
      %scan3A_213 = scf.for %scan3A_233 = %scan3A_209 to %scan3A_211 step %scan3A_212 iter_args(%scan3A_234 = %scan3A_208) -> (i32)  : i32 {
        %mul3A_235 = arith.constant 16 : i32
        %mul3A_236 = arith.muli %scan3A_233, %mul3A_235 : i32
        %add3A_237 = vector.broadcast %mul3A_236 : i32 to vector<16xi32>
        %add3A_238 = arith.addi %iota3A, %add3A_237 : vector<16xi32>
        %mul3A_239 = arith.constant 16 : i32
        %mul3A_240 = arith.muli %scan3A_233, %mul3A_239 : i32
        %add3A_241 = arith.constant 22528 : i32
        %add3A_242 = arith.addi %add3A_241, %mul3A_240 : i32
        %get3A = arith.index_cast %add3A_242 : i32 to index
        %get3A_243 = tpu.vector_load %arg9[%get3A] {strides = array<i32>} : memref<25600xi32, #tpu.memory_space<vmem>>, vector<16xi32>,
        %sub3A_244 = vector.broadcast %mul3A_167 : i32 to vector<16xi32>
        %sub3A_245 = arith.subi %get3A_243, %sub3A_244 : vector<16xi32>
        %ge3A = arith.constant 0 : i32
        %ge3A_246 = vector.broadcast %ge3A : i32 to vector<16xi32>
        %ge3A_247 = arith.cmpi sge, %sub3A_245, %ge3A_246 : vector<16xi32>
        %lt3A_248 = arith.constant 40 : i32
        %lt3A_249 = vector.broadcast %lt3A_248 : i32 to vector<16xi32>
        %lt3A_250 = arith.cmpi slt, %sub3A_245, %lt3A_249 : vector<16xi32>
        %and3A_251 = arith.andi %ge3A_247, %lt3A_250 : vector<16xi1>
        tpu.vector_store_idx %arg11[%broadcast_in_dim3A_3, %sub3A_245, %add3A_238], %broadcast_in_dim3A_1 masked %and3A_251 : memref<1x40x1024xf32, #tpu.memory_space<vmem>>[vector<16xi32>, vector<16xi32>, vector<16xi32>], vector<16xf32>, vector<16xi1>
        %mul3A_252 = arith.constant 16 : i32
        %mul3A_253 = arith.muli %scan3A_233, %mul3A_252 : i32
        %add3A_254 = arith.constant 24576 : i32
        %add3A_255 = arith.addi %add3A_254, %mul3A_253 : i32
        %get3A_256 = arith.index_cast %add3A_255 : i32 to index
        %get3A_257 = tpu.vector_load %arg9[%get3A_256] {strides = array<i32>} : memref<25600xi32, #tpu.memory_space<vmem>>, vector<16xi32>,
        %sub3A_258 = vector.broadcast %mul3A_167 : i32 to vector<16xi32>
        %sub3A_259 = arith.subi %get3A_257, %sub3A_258 : vector<16xi32>
        %ge3A_260 = arith.constant 0 : i32
        %ge3A_261 = vector.broadcast %ge3A_260 : i32 to vector<16xi32>
        %ge3A_262 = arith.cmpi sge, %sub3A_259, %ge3A_261 : vector<16xi32>
        %lt3A_263 = arith.constant 40 : i32
        %lt3A_264 = vector.broadcast %lt3A_263 : i32 to vector<16xi32>
        %lt3A_265 = arith.cmpi slt, %sub3A_259, %lt3A_264 : vector<16xi32>
        %and3A_266 = arith.andi %ge3A_262, %lt3A_265 : vector<16xi1>
        %gather3A = tpu.vector_load_idx %arg10[%get3A_257] masked %and3A_266 : memref<160xf32, #tpu.memory_space<vmem>>[vector<16xi32>], vector<16xf32>, vector<16xi1>
        tpu.vector_store_idx %arg11[%broadcast_in_dim3A_3, %sub3A_259, %add3A_238], %gather3A masked %and3A_266 : memref<1x40x1024xf32, #tpu.memory_space<vmem>>[vector<16xi32>, vector<16xi32>, vector<16xi32>], vector<16xf32>, vector<16xi1>
        %scan3A_267 = arith.constant 0 : i32
        scf.yield %scan3A_267 : i32
      }
      %scan3A_214 = arith.constant 64 : i32
      %add3A_215 = arith.constant 24 : i32
      %add3A_216 = arith.addi %mul3A_149, %add3A_215 : i32
      %dma_start3A_217 = arith.constant 0 : i32
      %dma_start3A_218 = tpu.memref_slice %arg7[%add3A_216, %mul3A_167, %dma_start3A_217] : memref<50x160x1024xf32, #tpu.memory_space<hbm>> -> memref<1x40x1024xf32, #tpu.memory_space<hbm>>
      %dma_start3A_219 = arith.constant 0 : i32
      %dma_start3A_220 = tpu.memref_slice %arg7[%add3A_216, %mul3A_167, %dma_start3A_219] : memref<50x160x1024xf32, #tpu.memory_space<hbm>> -> memref<1x40x1024xf32, #tpu.memory_space<hbm>>
      tpu.enqueue_dma source(%arg11 : memref<1x40x1024xf32, #tpu.memory_space<vmem>>) target(%dma_start3A_220 : memref<1x40x1024xf32, #tpu.memory_space<hbm>>) target_semaphore(%arg13 : memref<!tpu.dma_semaphore, #tpu.memory_space<semaphore_mem>>)
      %add3A_221 = arith.constant 23 : i32
      %add3A_222 = arith.addi %mul3A_149, %add3A_221 : i32
      %dma_wait3A_223 = arith.constant 0 : i32
      %dma_wait3A_224 = tpu.memref_slice %arg7[%add3A_222, %mul3A_167, %dma_wait3A_223] : memref<50x160x1024xf32, #tpu.memory_space<hbm>> -> memref<1x40x1024xf32, #tpu.memory_space<hbm>>
      %dma_wait3A_225 = arith.constant 0 : i32
      %dma_wait3A_226 = tpu.memref_slice %arg7[%add3A_222, %mul3A_167, %dma_wait3A_225] : memref<50x160x1024xf32, #tpu.memory_space<hbm>> -> memref<1x40x1024xf32, #tpu.memory_space<hbm>>
      tpu.wait_dma2 semaphore(%arg14 : memref<!tpu.dma_semaphore, #tpu.memory_space<semaphore_mem>>) src(%arg12 : memref<1x40x1024xf32, #tpu.memory_space<vmem>>) dst(%dma_wait3A_226 : memref<1x40x1024xf32, #tpu.memory_space<hbm>>)
      %add3A_227 = arith.constant 24 : i32
      %add3A_228 = arith.addi %mul3A_149, %add3A_227 : i32
      %dma_wait3A_229 = arith.constant 0 : i32
      %dma_wait3A_230 = tpu.memref_slice %arg7[%add3A_228, %mul3A_167, %dma_wait3A_229] : memref<50x160x1024xf32, #tpu.memory_space<hbm>> -> memref<1x40x1024xf32, #tpu.memory_space<hbm>>
      %dma_wait3A_231 = arith.constant 0 : i32
      %dma_wait3A_232 = tpu.memref_slice %arg7[%add3A_228, %mul3A_167, %dma_wait3A_231] : memref<50x160x1024xf32, #tpu.memory_space<hbm>> -> memref<1x40x1024xf32, #tpu.memory_space<hbm>>
      tpu.wait_dma2 semaphore(%arg13 : memref<!tpu.dma_semaphore, #tpu.memory_space<semaphore_mem>>) src(%arg11 : memref<1x40x1024xf32, #tpu.memory_space<vmem>>) dst(%dma_wait3A_232 : memref<1x40x1024xf32, #tpu.memory_space<hbm>>)
    } else {
    }
    %jit3A_80 = arith.constant 8 : i32
    %div3A_81 = arith.divsi %add3A, %jit3A_80 : i32
    %sign3A_82 = arith.constant 0 : i32
    %sign3A_83 = arith.cmpi sgt, %add3A, %sign3A_82 : i32
    %sign3A_84 = arith.extui %sign3A_83 : i1 to i32
    %sign3A_85 = arith.constant 0 : i32
    %sign3A_86 = arith.cmpi slt, %add3A, %sign3A_85 : i32
    %sign3A_87 = arith.extui %sign3A_86 : i1 to i32
    %sign3A_88 = arith.subi %sign3A_84, %sign3A_87 : i32
    %sign3A_89 = arith.constant 0 : i32
    %sign3A_90 = arith.cmpi sgt, %jit3A_80, %sign3A_89 : i32
    %sign3A_91 = arith.extui %sign3A_90 : i1 to i32
    %sign3A_92 = arith.constant 0 : i32
    %sign3A_93 = arith.cmpi slt, %jit3A_80, %sign3A_92 : i32
    %sign3A_94 = arith.extui %sign3A_93 : i1 to i32
    %sign3A_95 = arith.subi %sign3A_91, %sign3A_94 : i32
    %ne3A_96 = arith.cmpi ne, %sign3A_88, %sign3A_95 : i32
    %rem3A_97 = arith.remsi %add3A, %jit3A_80 : i32
    %ne3A_98 = arith.constant 0 : i32
    %ne3A_99 = arith.cmpi ne, %rem3A_97, %ne3A_98 : i32
    %and3A_100 = arith.andi %ne3A_96, %ne3A_99 : i1
    %sub3A_101 = arith.constant 1 : i32
    %sub3A_102 = arith.subi %div3A_81, %sub3A_101 : i32
    %select_n3A_103 = arith.select %and3A_100, %sub3A_102, %div3A_81 : i32
    %eq3A_104 = arith.constant 3 : i32
    %eq3A_105 = arith.cmpi eq, %select_n3A_103, %eq3A_104 : i32
    %convert_element_type3A_106 = arith.extui %eq3A_105 : i1 to i32
    %cond3A_107 = arith.constant 0 : i32
    %cond3A_108 = arith.cmpi ne, %convert_element_type3A_106, %cond3A_107 : i32
    scf.if %cond3A_108 {
      %jit3A_109 = arith.constant 8 : i32
      %eq3A_110 = arith.constant 0 : i32
      %eq3A_111 = arith.cmpi eq, %jit3A_109, %eq3A_110 : i32
      %jit3A_112 = arith.constant 1 : i32
      %select_n3A_113 = arith.select %eq3A_111, %jit3A_112, %jit3A_109 : i32
      %rem3A_114 = arith.remsi %add3A, %select_n3A_113 : i32
      %ne3A_115 = arith.constant 0 : i32
      %ne3A_116 = arith.cmpi ne, %rem3A_114, %ne3A_115 : i32
      %lt3A = arith.constant 0 : i32
      %lt3A_117 = arith.cmpi slt, %rem3A_114, %lt3A : i32
      %lt3A_118 = arith.constant 0 : i32
      %lt3A_119 = arith.cmpi slt, %select_n3A_113, %lt3A_118 : i32
      %ne3A_120 = arith.xori %lt3A_117, %lt3A_119 : i1
      %and3A_121 = arith.andi %ne3A_120, %ne3A_116 : i1
      %add3A_122 = arith.addi %rem3A_114, %select_n3A_113 : i32
      %select_n3A_123 = arith.select %and3A_121, %add3A_122, %rem3A_114 : i32
      %jit3A_124 = arith.constant 4 : i32
      %div3A_125 = arith.divsi %select_n3A_123, %jit3A_124 : i32
      %sign3A_126 = arith.constant 0 : i32
      %sign3A_127 = arith.cmpi sgt, %select_n3A_123, %sign3A_126 : i32
      %sign3A_128 = arith.extui %sign3A_127 : i1 to i32
      %sign3A_129 = arith.constant 0 : i32
      %sign3A_130 = arith.cmpi slt, %select_n3A_123, %sign3A_129 : i32
      %sign3A_131 = arith.extui %sign3A_130 : i1 to i32
      %sign3A_132 = arith.subi %sign3A_128, %sign3A_131 : i32
      %sign3A_133 = arith.constant 0 : i32
      %sign3A_134 = arith.cmpi sgt, %jit3A_124, %sign3A_133 : i32
      %sign3A_135 = arith.extui %sign3A_134 : i1 to i32
      %sign3A_136 = arith.constant 0 : i32
      %sign3A_137 = arith.cmpi slt, %jit3A_124, %sign3A_136 : i32
      %sign3A_138 = arith.extui %sign3A_137 : i1 to i32
      %sign3A_139 = arith.subi %sign3A_135, %sign3A_138 : i32
      %ne3A_140 = arith.cmpi ne, %sign3A_132, %sign3A_139 : i32
      %rem3A_141 = arith.remsi %select_n3A_123, %jit3A_124 : i32
      %ne3A_142 = arith.constant 0 : i32
      %ne3A_143 = arith.cmpi ne, %rem3A_141, %ne3A_142 : i32
      %and3A_144 = arith.andi %ne3A_140, %ne3A_143 : i1
      %sub3A_145 = arith.constant 1 : i32
      %sub3A_146 = arith.subi %div3A_125, %sub3A_145 : i32
      %select_n3A_147 = arith.select %and3A_144, %sub3A_146, %div3A_125 : i32
      %mul3A_148 = arith.constant 25 : i32
      %mul3A_149 = arith.muli %select_n3A_147, %mul3A_148 : i32
      %jit3A_150 = arith.constant 4 : i32
      %eq3A_151 = arith.constant 0 : i32
      %eq3A_152 = arith.cmpi eq, %jit3A_150, %eq3A_151 : i32
      %jit3A_153 = arith.constant 1 : i32
      %select_n3A_154 = arith.select %eq3A_152, %jit3A_153, %jit3A_150 : i32
      %rem3A_155 = arith.remsi %select_n3A_123, %select_n3A_154 : i32
      %ne3A_156 = arith.constant 0 : i32
      %ne3A_157 = arith.cmpi ne, %rem3A_155, %ne3A_156 : i32
      %lt3A_158 = arith.constant 0 : i32
      %lt3A_159 = arith.cmpi slt, %rem3A_155, %lt3A_158 : i32
      %lt3A_160 = arith.constant 0 : i32
      %lt3A_161 = arith.cmpi slt, %select_n3A_154, %lt3A_160 : i32
      %ne3A_162 = arith.xori %lt3A_159, %lt3A_161 : i1
      %and3A_163 = arith.andi %ne3A_162, %ne3A_157 : i1
      %add3A_164 = arith.addi %rem3A_155, %select_n3A_154 : i32
      %select_n3A_165 = arith.select %and3A_163, %add3A_164, %rem3A_155 : i32
      %mul3A_166 = arith.constant 40 : i32
      %mul3A_167 = arith.muli %select_n3A_165, %mul3A_166 : i32
      %add3A_168 = arith.constant 150 : i32
      %add3A_169 = arith.addi %add3A_168, %mul3A_149 : i32
      %mul3A_170 = arith.constant 1024 : i32
      %mul3A_171 = arith.muli %add3A_169, %mul3A_170 : i32
      "tpu.region"() ({
        %run_scoped3A = tpu.sem_alloc : memref<!tpu.dma_semaphore, #tpu.memory_space<semaphore_mem>>
        %dma_start3A_233 = tpu.memref_slice %arg2[%mul3A_171] : memref<204800xi32, #tpu.memory_space<hbm>> -> memref<25600xi32, #tpu.memory_space<hbm>>
        %dma_start3A_234 = tpu.memref_slice %arg2[%mul3A_171] : memref<204800xi32, #tpu.memory_space<hbm>> -> memref<25600xi32, #tpu.memory_space<hbm>>
        tpu.enqueue_dma source(%dma_start3A_234 : memref<25600xi32, #tpu.memory_space<hbm>>) target(%arg9 : memref<25600xi32, #tpu.memory_space<vmem>>) target_semaphore(%run_scoped3A : memref<!tpu.dma_semaphore, #tpu.memory_space<semaphore_mem>>)
        %dma_wait3A_235 = tpu.memref_slice %arg2[%mul3A_171] : memref<204800xi32, #tpu.memory_space<hbm>> -> memref<25600xi32, #tpu.memory_space<hbm>>
        %dma_wait3A_236 = tpu.memref_slice %arg2[%mul3A_171] : memref<204800xi32, #tpu.memory_space<hbm>> -> memref<25600xi32, #tpu.memory_space<hbm>>
        tpu.wait_dma2 semaphore(%run_scoped3A : memref<!tpu.dma_semaphore, #tpu.memory_space<semaphore_mem>>) src(%dma_wait3A_236 : memref<25600xi32, #tpu.memory_space<hbm>>) dst(%arg9 : memref<25600xi32, #tpu.memory_space<vmem>>)
        tpu.yield
      }) : () -> ()
      "tpu.region"() ({
        %run_scoped3A = tpu.sem_alloc : memref<!tpu.dma_semaphore, #tpu.memory_space<semaphore_mem>>
        tpu.enqueue_dma source(%arg3 : memref<160xf32, #tpu.memory_space<hbm>>) target(%arg10 : memref<160xf32, #tpu.memory_space<vmem>>) target_semaphore(%run_scoped3A : memref<!tpu.dma_semaphore, #tpu.memory_space<semaphore_mem>>)
        tpu.wait_dma2 semaphore(%run_scoped3A : memref<!tpu.dma_semaphore, #tpu.memory_space<semaphore_mem>>) src(%arg3 : memref<160xf32, #tpu.memory_space<hbm>>) dst(%arg10 : memref<160xf32, #tpu.memory_space<vmem>>)
        tpu.yield
      }) : () -> ()
      "tpu.region"() ({
        %run_scoped3A = tpu.sem_alloc : memref<!tpu.dma_semaphore, #tpu.memory_space<semaphore_mem>>
        tpu.enqueue_dma source(%arg4 : memref<1x40x1024xf32, #tpu.memory_space<hbm>>) target(%arg11 : memref<1x40x1024xf32, #tpu.memory_space<vmem>>) target_semaphore(%run_scoped3A : memref<!tpu.dma_semaphore, #tpu.memory_space<semaphore_mem>>)
        tpu.wait_dma2 semaphore(%run_scoped3A : memref<!tpu.dma_semaphore, #tpu.memory_space<semaphore_mem>>) src(%arg4 : memref<1x40x1024xf32, #tpu.memory_space<hbm>>) dst(%arg11 : memref<1x40x1024xf32, #tpu.memory_space<vmem>>)
        tpu.yield
      }) : () -> ()
      "tpu.region"() ({
        %run_scoped3A = tpu.sem_alloc : memref<!tpu.dma_semaphore, #tpu.memory_space<semaphore_mem>>
        tpu.enqueue_dma source(%arg4 : memref<1x40x1024xf32, #tpu.memory_space<hbm>>) target(%arg12 : memref<1x40x1024xf32, #tpu.memory_space<vmem>>) target_semaphore(%run_scoped3A : memref<!tpu.dma_semaphore, #tpu.memory_space<semaphore_mem>>)
        tpu.wait_dma2 semaphore(%run_scoped3A : memref<!tpu.dma_semaphore, #tpu.memory_space<semaphore_mem>>) src(%arg4 : memref<1x40x1024xf32, #tpu.memory_space<hbm>>) dst(%arg12 : memref<1x40x1024xf32, #tpu.memory_space<vmem>>)
        tpu.yield
      }) : () -> ()
      %scan3A = arith.constant 0 : i32
      %scan3A_172 = arith.constant 0 : i32
      %scan3A_173 = arith.constant 64 : i32
      %scan3A_174 = arith.addi %scan3A_172, %scan3A_173 : i32
      %scan3A_175 = arith.constant 1 : i32
      %scan3A_176 = scf.for %scan3A_233 = %scan3A_172 to %scan3A_174 step %scan3A_175 iter_args(%scan3A_234 = %scan3A) -> (i32)  : i32 {
        %mul3A_235 = arith.constant 16 : i32
        %mul3A_236 = arith.muli %scan3A_233, %mul3A_235 : i32
        %add3A_237 = vector.broadcast %mul3A_236 : i32 to vector<16xi32>
        %add3A_238 = arith.addi %iota3A, %add3A_237 : vector<16xi32>
        %mul3A_239 = arith.constant 16 : i32
        %mul3A_240 = arith.muli %scan3A_233, %mul3A_239 : i32
        %add3A_241 = arith.constant 0 : i32
        %add3A_242 = arith.addi %add3A_241, %mul3A_240 : i32
        %get3A = arith.index_cast %add3A_242 : i32 to index
        %get3A_243 = tpu.vector_load %arg9[%get3A] {strides = array<i32>} : memref<25600xi32, #tpu.memory_space<vmem>>, vector<16xi32>,
        %sub3A_244 = vector.broadcast %mul3A_167 : i32 to vector<16xi32>
        %sub3A_245 = arith.subi %get3A_243, %sub3A_244 : vector<16xi32>
        %ge3A = arith.constant 0 : i32
        %ge3A_246 = vector.broadcast %ge3A : i32 to vector<16xi32>
        %ge3A_247 = arith.cmpi sge, %sub3A_245, %ge3A_246 : vector<16xi32>
        %lt3A_248 = arith.constant 40 : i32
        %lt3A_249 = vector.broadcast %lt3A_248 : i32 to vector<16xi32>
        %lt3A_250 = arith.cmpi slt, %sub3A_245, %lt3A_249 : vector<16xi32>
        %and3A_251 = arith.andi %ge3A_247, %lt3A_250 : vector<16xi1>
        %gather3A = tpu.vector_load_idx %arg10[%get3A_243] masked %and3A_251 : memref<160xf32, #tpu.memory_space<vmem>>[vector<16xi32>], vector<16xf32>, vector<16xi1>
        tpu.vector_store_idx %arg11[%broadcast_in_dim3A_3, %sub3A_245, %add3A_238], %gather3A masked %and3A_251 : memref<1x40x1024xf32, #tpu.memory_space<vmem>>[vector<16xi32>, vector<16xi32>, vector<16xi32>], vector<16xf32>, vector<16xi1>
        %scan3A_252 = arith.constant 0 : i32
        scf.yield %scan3A_252 : i32
      }
      %scan3A_177 = arith.constant 64 : i32
      %add3A_178 = arith.constant 0 : i32
      %add3A_179 = arith.addi %mul3A_149, %add3A_178 : i32
      %dma_start3A = arith.constant 0 : i32
      %dma_start3A_180 = tpu.memref_slice %arg8[%add3A_179, %mul3A_167, %dma_start3A] : memref<50x160x1024xf32, #tpu.memory_space<hbm>> -> memref<1x40x1024xf32, #tpu.memory_space<hbm>>
      %dma_start3A_181 = arith.constant 0 : i32
      %dma_start3A_182 = tpu.memref_slice %arg8[%add3A_179, %mul3A_167, %dma_start3A_181] : memref<50x160x1024xf32, #tpu.memory_space<hbm>> -> memref<1x40x1024xf32, #tpu.memory_space<hbm>>
      tpu.enqueue_dma source(%arg11 : memref<1x40x1024xf32, #tpu.memory_space<vmem>>) target(%dma_start3A_182 : memref<1x40x1024xf32, #tpu.memory_space<hbm>>) target_semaphore(%arg13 : memref<!tpu.dma_semaphore, #tpu.memory_space<semaphore_mem>>)
      %scan3A_183 = arith.constant 0 : i32
      %scan3A_184 = arith.constant 0 : i32
      %scan3A_185 = arith.constant 64 : i32
      %scan3A_186 = arith.addi %scan3A_184, %scan3A_185 : i32
      %scan3A_187 = arith.constant 1 : i32
      %scan3A_188 = scf.for %scan3A_233 = %scan3A_184 to %scan3A_186 step %scan3A_187 iter_args(%scan3A_234 = %scan3A_183) -> (i32)  : i32 {
        %mul3A_235 = arith.constant 16 : i32
        %mul3A_236 = arith.muli %scan3A_233, %mul3A_235 : i32
        %add3A_237 = vector.broadcast %mul3A_236 : i32 to vector<16xi32>
        %add3A_238 = arith.addi %iota3A, %add3A_237 : vector<16xi32>
        %mul3A_239 = arith.constant 16 : i32
        %mul3A_240 = arith.muli %scan3A_233, %mul3A_239 : i32
        %add3A_241 = arith.constant 1024 : i32
        %add3A_242 = arith.addi %add3A_241, %mul3A_240 : i32
        %get3A = arith.index_cast %add3A_242 : i32 to index
        %get3A_243 = tpu.vector_load %arg9[%get3A] {strides = array<i32>} : memref<25600xi32, #tpu.memory_space<vmem>>, vector<16xi32>,
        %sub3A_244 = vector.broadcast %mul3A_167 : i32 to vector<16xi32>
        %sub3A_245 = arith.subi %get3A_243, %sub3A_244 : vector<16xi32>
        %ge3A = arith.constant 0 : i32
        %ge3A_246 = vector.broadcast %ge3A : i32 to vector<16xi32>
        %ge3A_247 = arith.cmpi sge, %sub3A_245, %ge3A_246 : vector<16xi32>
        %lt3A_248 = arith.constant 40 : i32
        %lt3A_249 = vector.broadcast %lt3A_248 : i32 to vector<16xi32>
        %lt3A_250 = arith.cmpi slt, %sub3A_245, %lt3A_249 : vector<16xi32>
        %and3A_251 = arith.andi %ge3A_247, %lt3A_250 : vector<16xi1>
        %gather3A = tpu.vector_load_idx %arg10[%get3A_243] masked %and3A_251 : memref<160xf32, #tpu.memory_space<vmem>>[vector<16xi32>], vector<16xf32>, vector<16xi1>
        tpu.vector_store_idx %arg12[%broadcast_in_dim3A_3, %sub3A_245, %add3A_238], %gather3A masked %and3A_251 : memref<1x40x1024xf32, #tpu.memory_space<vmem>>[vector<16xi32>, vector<16xi32>, vector<16xi32>], vector<16xf32>, vector<16xi1>
        %scan3A_252 = arith.constant 0 : i32
        scf.yield %scan3A_252 : i32
      }
      %scan3A_189 = arith.constant 64 : i32
      %add3A_190 = arith.constant 1 : i32
      %add3A_191 = arith.addi %mul3A_149, %add3A_190 : i32
      %dma_start3A_192 = arith.constant 0 : i32
      %dma_start3A_193 = tpu.memref_slice %arg8[%add3A_191, %mul3A_167, %dma_start3A_192] : memref<50x160x1024xf32, #tpu.memory_space<hbm>> -> memref<1x40x1024xf32, #tpu.memory_space<hbm>>
      %dma_start3A_194 = arith.constant 0 : i32
      %dma_start3A_195 = tpu.memref_slice %arg8[%add3A_191, %mul3A_167, %dma_start3A_194] : memref<50x160x1024xf32, #tpu.memory_space<hbm>> -> memref<1x40x1024xf32, #tpu.memory_space<hbm>>
      tpu.enqueue_dma source(%arg12 : memref<1x40x1024xf32, #tpu.memory_space<vmem>>) target(%dma_start3A_195 : memref<1x40x1024xf32, #tpu.memory_space<hbm>>) target_semaphore(%arg14 : memref<!tpu.dma_semaphore, #tpu.memory_space<semaphore_mem>>)
      %scan3A_196 = arith.constant 0 : i32
      %scan3A_197 = arith.constant 1 : i32
      %scan3A_198 = arith.constant 11 : i32
      %scan3A_199 = arith.addi %scan3A_197, %scan3A_198 : i32
      %scan3A_200 = arith.constant 1 : i32
      %scan3A_201 = scf.for %scan3A_233 = %scan3A_197 to %scan3A_199 step %scan3A_200 iter_args(%scan3A_234 = %scan3A_196) -> (i32)  : i32 {
        %mul3A_235 = arith.constant 2 : i32
        %mul3A_236 = arith.muli %scan3A_233, %mul3A_235 : i32
        %add3A_237 = arith.constant 0 : i32
        %add3A_238 = arith.addi %mul3A_236, %add3A_237 : i32
        %sub3A_239 = arith.constant 2 : i32
        %sub3A_240 = arith.subi %add3A_238, %sub3A_239 : i32
        %add3A_241 = arith.addi %mul3A_149, %sub3A_240 : i32
        %dma_wait3A_242 = arith.constant 0 : i32
        %dma_wait3A_243 = tpu.memref_slice %arg8[%add3A_241, %mul3A_167, %dma_wait3A_242] : memref<50x160x1024xf32, #tpu.memory_space<hbm>> -> memref<1x40x1024xf32, #tpu.memory_space<hbm>>
        %dma_wait3A_244 = arith.constant 0 : i32
        %dma_wait3A_245 = tpu.memref_slice %arg8[%add3A_241, %mul3A_167, %dma_wait3A_244] : memref<50x160x1024xf32, #tpu.memory_space<hbm>> -> memref<1x40x1024xf32, #tpu.memory_space<hbm>>
        tpu.wait_dma2 semaphore(%arg13 : memref<!tpu.dma_semaphore, #tpu.memory_space<semaphore_mem>>) src(%arg11 : memref<1x40x1024xf32, #tpu.memory_space<vmem>>) dst(%dma_wait3A_245 : memref<1x40x1024xf32, #tpu.memory_space<hbm>>)
        %sub3A_246 = arith.constant 2 : i32
        %sub3A_247 = arith.subi %add3A_238, %sub3A_246 : i32
        %scan3A_248 = arith.constant 0 : i32
        %scan3A_249 = arith.constant 0 : i32
        %scan3A_250 = arith.constant 64 : i32
        %scan3A_251 = arith.addi %scan3A_249, %scan3A_250 : i32
        %scan3A_252 = arith.constant 1 : i32
        %scan3A_253 = scf.for %scan3A_286 = %scan3A_249 to %scan3A_251 step %scan3A_252 iter_args(%scan3A_287 = %scan3A_248) -> (i32)  : i32 {
          %mul3A_288 = arith.constant 16 : i32
          %mul3A_289 = arith.muli %scan3A_286, %mul3A_288 : i32
          %add3A_290 = vector.broadcast %mul3A_289 : i32 to vector<16xi32>
          %add3A_291 = arith.addi %iota3A, %add3A_290 : vector<16xi32>
          %mul3A_292 = arith.constant 1024 : i32
          %mul3A_293 = arith.muli %sub3A_247, %mul3A_292 : i32
          %mul3A_294 = arith.constant 16 : i32
          %mul3A_295 = arith.muli %scan3A_286, %mul3A_294 : i32
          %add3A_296 = arith.addi %mul3A_293, %mul3A_295 : i32
          %get3A = arith.index_cast %add3A_296 : i32 to index
          %get3A_297 = tpu.vector_load %arg9[%get3A] {strides = array<i32>} : memref<25600xi32, #tpu.memory_space<vmem>>, vector<16xi32>,
          %sub3A_298 = vector.broadcast %mul3A_167 : i32 to vector<16xi32>
          %sub3A_299 = arith.subi %get3A_297, %sub3A_298 : vector<16xi32>
          %ge3A = arith.constant 0 : i32
          %ge3A_300 = vector.broadcast %ge3A : i32 to vector<16xi32>
          %ge3A_301 = arith.cmpi sge, %sub3A_299, %ge3A_300 : vector<16xi32>
          %lt3A_302 = arith.constant 40 : i32
          %lt3A_303 = vector.broadcast %lt3A_302 : i32 to vector<16xi32>
          %lt3A_304 = arith.cmpi slt, %sub3A_299, %lt3A_303 : vector<16xi32>
          %and3A_305 = arith.andi %ge3A_301, %lt3A_304 : vector<16xi1>
          tpu.vector_store_idx %arg11[%broadcast_in_dim3A_3, %sub3A_299, %add3A_291], %broadcast_in_dim3A_1 masked %and3A_305 : memref<1x40x1024xf32, #tpu.memory_space<vmem>>[vector<16xi32>, vector<16xi32>, vector<16xi32>], vector<16xf32>, vector<16xi1>
          %mul3A_306 = arith.constant 1024 : i32
          %mul3A_307 = arith.muli %add3A_238, %mul3A_306 : i32
          %mul3A_308 = arith.constant 16 : i32
          %mul3A_309 = arith.muli %scan3A_286, %mul3A_308 : i32
          %add3A_310 = arith.addi %mul3A_307, %mul3A_309 : i32
          %get3A_311 = arith.index_cast %add3A_310 : i32 to index
          %get3A_312 = tpu.vector_load %arg9[%get3A_311] {strides = array<i32>} : memref<25600xi32, #tpu.memory_space<vmem>>, vector<16xi32>,
          %sub3A_313 = vector.broadcast %mul3A_167 : i32 to vector<16xi32>
          %sub3A_314 = arith.subi %get3A_312, %sub3A_313 : vector<16xi32>
          %ge3A_315 = arith.constant 0 : i32
          %ge3A_316 = vector.broadcast %ge3A_315 : i32 to vector<16xi32>
          %ge3A_317 = arith.cmpi sge, %sub3A_314, %ge3A_316 : vector<16xi32>
          %lt3A_318 = arith.constant 40 : i32
          %lt3A_319 = vector.broadcast %lt3A_318 : i32 to vector<16xi32>
          %lt3A_320 = arith.cmpi slt, %sub3A_314, %lt3A_319 : vector<16xi32>
          %and3A_321 = arith.andi %ge3A_317, %lt3A_320 : vector<16xi1>
          %gather3A = tpu.vector_load_idx %arg10[%get3A_312] masked %and3A_321 : memref<160xf32, #tpu.memory_space<vmem>>[vector<16xi32>], vector<16xf32>, vector<16xi1>
          tpu.vector_store_idx %arg11[%broadcast_in_dim3A_3, %sub3A_314, %add3A_291], %gather3A masked %and3A_321 : memref<1x40x1024xf32, #tpu.memory_space<vmem>>[vector<16xi32>, vector<16xi32>, vector<16xi32>], vector<16xf32>, vector<16xi1>
          %scan3A_322 = arith.constant 0 : i32
          scf.yield %scan3A_322 : i32
        }
        %scan3A_254 = arith.constant 64 : i32
        %add3A_255 = arith.addi %mul3A_149, %add3A_238 : i32
        %dma_start3A_256 = arith.constant 0 : i32
        %dma_start3A_257 = tpu.memref_slice %arg8[%add3A_255, %mul3A_167, %dma_start3A_256] : memref<50x160x1024xf32, #tpu.memory_space<hbm>> -> memref<1x40x1024xf32, #tpu.memory_space<hbm>>
        %dma_start3A_258 = arith.constant 0 : i32
        %dma_start3A_259 = tpu.memref_slice %arg8[%add3A_255, %mul3A_167, %dma_start3A_258] : memref<50x160x1024xf32, #tpu.memory_space<hbm>> -> memref<1x40x1024xf32, #tpu.memory_space<hbm>>
        tpu.enqueue_dma source(%arg11 : memref<1x40x1024xf32, #tpu.memory_space<vmem>>) target(%dma_start3A_259 : memref<1x40x1024xf32, #tpu.memory_space<hbm>>) target_semaphore(%arg13 : memref<!tpu.dma_semaphore, #tpu.memory_space<semaphore_mem>>)
        %mul3A_260 = arith.constant 2 : i32
        %mul3A_261 = arith.muli %scan3A_233, %mul3A_260 : i32
        %add3A_262 = arith.constant 1 : i32
        %add3A_263 = arith.addi %mul3A_261, %add3A_262 : i32
        %sub3A_264 = arith.constant 2 : i32
        %sub3A_265 = arith.subi %add3A_263, %sub3A_264 : i32
        %add3A_266 = arith.addi %mul3A_149, %sub3A_265 : i32
        %dma_wait3A_267 = arith.constant 0 : i32
        %dma_wait3A_268 = tpu.memref_slice %arg8[%add3A_266, %mul3A_167, %dma_wait3A_267] : memref<50x160x1024xf32, #tpu.memory_space<hbm>> -> memref<1x40x1024xf32, #tpu.memory_space<hbm>>
        %dma_wait3A_269 = arith.constant 0 : i32
        %dma_wait3A_270 = tpu.memref_slice %arg8[%add3A_266, %mul3A_167, %dma_wait3A_269] : memref<50x160x1024xf32, #tpu.memory_space<hbm>> -> memref<1x40x1024xf32, #tpu.memory_space<hbm>>
        tpu.wait_dma2 semaphore(%arg14 : memref<!tpu.dma_semaphore, #tpu.memory_space<semaphore_mem>>) src(%arg12 : memref<1x40x1024xf32, #tpu.memory_space<vmem>>) dst(%dma_wait3A_270 : memref<1x40x1024xf32, #tpu.memory_space<hbm>>)
        %sub3A_271 = arith.constant 2 : i32
        %sub3A_272 = arith.subi %add3A_263, %sub3A_271 : i32
        %scan3A_273 = arith.constant 0 : i32
        %scan3A_274 = arith.constant 0 : i32
        %scan3A_275 = arith.constant 64 : i32
        %scan3A_276 = arith.addi %scan3A_274, %scan3A_275 : i32
        %scan3A_277 = arith.constant 1 : i32
        %scan3A_278 = scf.for %scan3A_286 = %scan3A_274 to %scan3A_276 step %scan3A_277 iter_args(%scan3A_287 = %scan3A_273) -> (i32)  : i32 {
          %mul3A_288 = arith.constant 16 : i32
          %mul3A_289 = arith.muli %scan3A_286, %mul3A_288 : i32
          %add3A_290 = vector.broadcast %mul3A_289 : i32 to vector<16xi32>
          %add3A_291 = arith.addi %iota3A, %add3A_290 : vector<16xi32>
          %mul3A_292 = arith.constant 1024 : i32
          %mul3A_293 = arith.muli %sub3A_272, %mul3A_292 : i32
          %mul3A_294 = arith.constant 16 : i32
          %mul3A_295 = arith.muli %scan3A_286, %mul3A_294 : i32
          %add3A_296 = arith.addi %mul3A_293, %mul3A_295 : i32
          %get3A = arith.index_cast %add3A_296 : i32 to index
          %get3A_297 = tpu.vector_load %arg9[%get3A] {strides = array<i32>} : memref<25600xi32, #tpu.memory_space<vmem>>, vector<16xi32>,
          %sub3A_298 = vector.broadcast %mul3A_167 : i32 to vector<16xi32>
          %sub3A_299 = arith.subi %get3A_297, %sub3A_298 : vector<16xi32>
          %ge3A = arith.constant 0 : i32
          %ge3A_300 = vector.broadcast %ge3A : i32 to vector<16xi32>
          %ge3A_301 = arith.cmpi sge, %sub3A_299, %ge3A_300 : vector<16xi32>
          %lt3A_302 = arith.constant 40 : i32
          %lt3A_303 = vector.broadcast %lt3A_302 : i32 to vector<16xi32>
          %lt3A_304 = arith.cmpi slt, %sub3A_299, %lt3A_303 : vector<16xi32>
          %and3A_305 = arith.andi %ge3A_301, %lt3A_304 : vector<16xi1>
          tpu.vector_store_idx %arg12[%broadcast_in_dim3A_3, %sub3A_299, %add3A_291], %broadcast_in_dim3A_1 masked %and3A_305 : memref<1x40x1024xf32, #tpu.memory_space<vmem>>[vector<16xi32>, vector<16xi32>, vector<16xi32>], vector<16xf32>, vector<16xi1>
          %mul3A_306 = arith.constant 1024 : i32
          %mul3A_307 = arith.muli %add3A_263, %mul3A_306 : i32
          %mul3A_308 = arith.constant 16 : i32
          %mul3A_309 = arith.muli %scan3A_286, %mul3A_308 : i32
          %add3A_310 = arith.addi %mul3A_307, %mul3A_309 : i32
          %get3A_311 = arith.index_cast %add3A_310 : i32 to index
          %get3A_312 = tpu.vector_load %arg9[%get3A_311] {strides = array<i32>} : memref<25600xi32, #tpu.memory_space<vmem>>, vector<16xi32>,
          %sub3A_313 = vector.broadcast %mul3A_167 : i32 to vector<16xi32>
          %sub3A_314 = arith.subi %get3A_312, %sub3A_313 : vector<16xi32>
          %ge3A_315 = arith.constant 0 : i32
          %ge3A_316 = vector.broadcast %ge3A_315 : i32 to vector<16xi32>
          %ge3A_317 = arith.cmpi sge, %sub3A_314, %ge3A_316 : vector<16xi32>
          %lt3A_318 = arith.constant 40 : i32
          %lt3A_319 = vector.broadcast %lt3A_318 : i32 to vector<16xi32>
          %lt3A_320 = arith.cmpi slt, %sub3A_314, %lt3A_319 : vector<16xi32>
          %and3A_321 = arith.andi %ge3A_317, %lt3A_320 : vector<16xi1>
          %gather3A = tpu.vector_load_idx %arg10[%get3A_312] masked %and3A_321 : memref<160xf32, #tpu.memory_space<vmem>>[vector<16xi32>], vector<16xf32>, vector<16xi1>
          tpu.vector_store_idx %arg12[%broadcast_in_dim3A_3, %sub3A_314, %add3A_291], %gather3A masked %and3A_321 : memref<1x40x1024xf32, #tpu.memory_space<vmem>>[vector<16xi32>, vector<16xi32>, vector<16xi32>], vector<16xf32>, vector<16xi1>
          %scan3A_322 = arith.constant 0 : i32
          scf.yield %scan3A_322 : i32
        }
        %scan3A_279 = arith.constant 64 : i32
        %add3A_280 = arith.addi %mul3A_149, %add3A_263 : i32
        %dma_start3A_281 = arith.constant 0 : i32
        %dma_start3A_282 = tpu.memref_slice %arg8[%add3A_280, %mul3A_167, %dma_start3A_281] : memref<50x160x1024xf32, #tpu.memory_space<hbm>> -> memref<1x40x1024xf32, #tpu.memory_space<hbm>>
        %dma_start3A_283 = arith.constant 0 : i32
        %dma_start3A_284 = tpu.memref_slice %arg8[%add3A_280, %mul3A_167, %dma_start3A_283] : memref<50x160x1024xf32, #tpu.memory_space<hbm>> -> memref<1x40x1024xf32, #tpu.memory_space<hbm>>
        tpu.enqueue_dma source(%arg12 : memref<1x40x1024xf32, #tpu.memory_space<vmem>>) target(%dma_start3A_284 : memref<1x40x1024xf32, #tpu.memory_space<hbm>>) target_semaphore(%arg14 : memref<!tpu.dma_semaphore, #tpu.memory_space<semaphore_mem>>)
        %scan3A_285 = arith.constant 0 : i32
        scf.yield %scan3A_285 : i32
      }
      %scan3A_202 = arith.constant 11 : i32
      %add3A_203 = arith.constant 22 : i32
      %add3A_204 = arith.addi %mul3A_149, %add3A_203 : i32
      %dma_wait3A = arith.constant 0 : i32
      %dma_wait3A_205 = tpu.memref_slice %arg8[%add3A_204, %mul3A_167, %dma_wait3A] : memref<50x160x1024xf32, #tpu.memory_space<hbm>> -> memref<1x40x1024xf32, #tpu.memory_space<hbm>>
      %dma_wait3A_206 = arith.constant 0 : i32
      %dma_wait3A_207 = tpu.memref_slice %arg8[%add3A_204, %mul3A_167, %dma_wait3A_206] : memref<50x160x1024xf32, #tpu.memory_space<hbm>> -> memref<1x40x1024xf32, #tpu.memory_space<hbm>>
      tpu.wait_dma2 semaphore(%arg13 : memref<!tpu.dma_semaphore, #tpu.memory_space<semaphore_mem>>) src(%arg11 : memref<1x40x1024xf32, #tpu.memory_space<vmem>>) dst(%dma_wait3A_207 : memref<1x40x1024xf32, #tpu.memory_space<hbm>>)
      %scan3A_208 = arith.constant 0 : i32
      %scan3A_209 = arith.constant 0 : i32
      %scan3A_210 = arith.constant 64 : i32
      %scan3A_211 = arith.addi %scan3A_209, %scan3A_210 : i32
      %scan3A_212 = arith.constant 1 : i32
      %scan3A_213 = scf.for %scan3A_233 = %scan3A_209 to %scan3A_211 step %scan3A_212 iter_args(%scan3A_234 = %scan3A_208) -> (i32)  : i32 {
        %mul3A_235 = arith.constant 16 : i32
        %mul3A_236 = arith.muli %scan3A_233, %mul3A_235 : i32
        %add3A_237 = vector.broadcast %mul3A_236 : i32 to vector<16xi32>
        %add3A_238 = arith.addi %iota3A, %add3A_237 : vector<16xi32>
        %mul3A_239 = arith.constant 16 : i32
        %mul3A_240 = arith.muli %scan3A_233, %mul3A_239 : i32
        %add3A_241 = arith.constant 22528 : i32
        %add3A_242 = arith.addi %add3A_241, %mul3A_240 : i32
        %get3A = arith.index_cast %add3A_242 : i32 to index
        %get3A_243 = tpu.vector_load %arg9[%get3A] {strides = array<i32>} : memref<25600xi32, #tpu.memory_space<vmem>>, vector<16xi32>,
        %sub3A_244 = vector.broadcast %mul3A_167 : i32 to vector<16xi32>
        %sub3A_245 = arith.subi %get3A_243, %sub3A_244 : vector<16xi32>
        %ge3A = arith.constant 0 : i32
        %ge3A_246 = vector.broadcast %ge3A : i32 to vector<16xi32>
        %ge3A_247 = arith.cmpi sge, %sub3A_245, %ge3A_246 : vector<16xi32>
        %lt3A_248 = arith.constant 40 : i32
        %lt3A_249 = vector.broadcast %lt3A_248 : i32 to vector<16xi32>
        %lt3A_250 = arith.cmpi slt, %sub3A_245, %lt3A_249 : vector<16xi32>
        %and3A_251 = arith.andi %ge3A_247, %lt3A_250 : vector<16xi1>
        tpu.vector_store_idx %arg11[%broadcast_in_dim3A_3, %sub3A_245, %add3A_238], %broadcast_in_dim3A_1 masked %and3A_251 : memref<1x40x1024xf32, #tpu.memory_space<vmem>>[vector<16xi32>, vector<16xi32>, vector<16xi32>], vector<16xf32>, vector<16xi1>
        %mul3A_252 = arith.constant 16 : i32
        %mul3A_253 = arith.muli %scan3A_233, %mul3A_252 : i32
        %add3A_254 = arith.constant 24576 : i32
        %add3A_255 = arith.addi %add3A_254, %mul3A_253 : i32
        %get3A_256 = arith.index_cast %add3A_255 : i32 to index
        %get3A_257 = tpu.vector_load %arg9[%get3A_256] {strides = array<i32>} : memref<25600xi32, #tpu.memory_space<vmem>>, vector<16xi32>,
        %sub3A_258 = vector.broadcast %mul3A_167 : i32 to vector<16xi32>
        %sub3A_259 = arith.subi %get3A_257, %sub3A_258 : vector<16xi32>
        %ge3A_260 = arith.constant 0 : i32
        %ge3A_261 = vector.broadcast %ge3A_260 : i32 to vector<16xi32>
        %ge3A_262 = arith.cmpi sge, %sub3A_259, %ge3A_261 : vector<16xi32>
        %lt3A_263 = arith.constant 40 : i32
        %lt3A_264 = vector.broadcast %lt3A_263 : i32 to vector<16xi32>
        %lt3A_265 = arith.cmpi slt, %sub3A_259, %lt3A_264 : vector<16xi32>
        %and3A_266 = arith.andi %ge3A_262, %lt3A_265 : vector<16xi1>
        %gather3A = tpu.vector_load_idx %arg10[%get3A_257] masked %and3A_266 : memref<160xf32, #tpu.memory_space<vmem>>[vector<16xi32>], vector<16xf32>, vector<16xi1>
        tpu.vector_store_idx %arg11[%broadcast_in_dim3A_3, %sub3A_259, %add3A_238], %gather3A masked %and3A_266 : memref<1x40x1024xf32, #tpu.memory_space<vmem>>[vector<16xi32>, vector<16xi32>, vector<16xi32>], vector<16xf32>, vector<16xi1>
        %scan3A_267 = arith.constant 0 : i32
        scf.yield %scan3A_267 : i32
      }
      %scan3A_214 = arith.constant 64 : i32
      %add3A_215 = arith.constant 24 : i32
      %add3A_216 = arith.addi %mul3A_149, %add3A_215 : i32
      %dma_start3A_217 = arith.constant 0 : i32
      %dma_start3A_218 = tpu.memref_slice %arg8[%add3A_216, %mul3A_167, %dma_start3A_217] : memref<50x160x1024xf32, #tpu.memory_space<hbm>> -> memref<1x40x1024xf32, #tpu.memory_space<hbm>>
      %dma_start3A_219 = arith.constant 0 : i32
      %dma_start3A_220 = tpu.memref_slice %arg8[%add3A_216, %mul3A_167, %dma_start3A_219] : memref<50x160x1024xf32, #tpu.memory_space<hbm>> -> memref<1x40x1024xf32, #tpu.memory_space<hbm>>
      tpu.enqueue_dma source(%arg11 : memref<1x40x1024xf32, #tpu.memory_space<vmem>>) target(%dma_start3A_220 : memref<1x40x1024xf32, #tpu.memory_space<hbm>>) target_semaphore(%arg13 : memref<!tpu.dma_semaphore, #tpu.memory_space<semaphore_mem>>)
      %add3A_221 = arith.constant 23 : i32
      %add3A_222 = arith.addi %mul3A_149, %add3A_221 : i32
      %dma_wait3A_223 = arith.constant 0 : i32
      %dma_wait3A_224 = tpu.memref_slice %arg8[%add3A_222, %mul3A_167, %dma_wait3A_223] : memref<50x160x1024xf32, #tpu.memory_space<hbm>> -> memref<1x40x1024xf32, #tpu.memory_space<hbm>>
      %dma_wait3A_225 = arith.constant 0 : i32
      %dma_wait3A_226 = tpu.memref_slice %arg8[%add3A_222, %mul3A_167, %dma_wait3A_225] : memref<50x160x1024xf32, #tpu.memory_space<hbm>> -> memref<1x40x1024xf32, #tpu.memory_space<hbm>>
      tpu.wait_dma2 semaphore(%arg14 : memref<!tpu.dma_semaphore, #tpu.memory_space<semaphore_mem>>) src(%arg12 : memref<1x40x1024xf32, #tpu.memory_space<vmem>>) dst(%dma_wait3A_226 : memref<1x40x1024xf32, #tpu.memory_space<hbm>>)
      %add3A_227 = arith.constant 24 : i32
      %add3A_228 = arith.addi %mul3A_149, %add3A_227 : i32
      %dma_wait3A_229 = arith.constant 0 : i32
      %dma_wait3A_230 = tpu.memref_slice %arg8[%add3A_228, %mul3A_167, %dma_wait3A_229] : memref<50x160x1024xf32, #tpu.memory_space<hbm>> -> memref<1x40x1024xf32, #tpu.memory_space<hbm>>
      %dma_wait3A_231 = arith.constant 0 : i32
      %dma_wait3A_232 = tpu.memref_slice %arg8[%add3A_228, %mul3A_167, %dma_wait3A_231] : memref<50x160x1024xf32, #tpu.memory_space<hbm>> -> memref<1x40x1024xf32, #tpu.memory_space<hbm>>
      tpu.wait_dma2 semaphore(%arg13 : memref<!tpu.dma_semaphore, #tpu.memory_space<semaphore_mem>>) src(%arg11 : memref<1x40x1024xf32, #tpu.memory_space<vmem>>) dst(%dma_wait3A_232 : memref<1x40x1024xf32, #tpu.memory_space<hbm>>)
    } else {
    }
    return
  }
}

</mosaic_0001>

<sc_bundles>
// kernel: kernel.3.cloned.1.call-start
scs
__scs_entry_jumppad:
0x0: {  	(pc) =	sbr.rel $0x88, $3  }
0x1: {  	(tag) =	ssettag $0x0;
	lr =	simm.s32 $0x1  }
0x2: {  	[smem:$0x3F9F] =	sst lr;
	_ =	strace $0xD0000000  }
0x3: {  	_ = 	snop  }
0x4: {  	_ = 	snop  }
0x5: {  	_ = 	snop  }
0x6: {  	_ = 	snop  }
0x7: {  	_ = 	snop  }
__scs_overlays_trampoline_lowered:
0x8: {  	[smem:$0x3FAE] =	sst s0  }
0x9: {  	[smem:$0x3FAF] =	sst s1  }
0xa: {  	[smem:$0x3FB0] =	sst s2  }
0xb: {  	[smem:$0x3FB1] =	sst s3  }
0xc: {  	[smem:$0x3FB2] =	sst s4  }
0xd: {  	[smem:$0x3FB3] =	sst s5  }
0xe: {  	[smem:$0x3FB4] =	sst s6  }
0xf: {  	[smem:$0x3FB5] =	sst s7  }
0x10: {  	[smem:$0x3FB6] =	sst s8  }
0x11: {  	[smem:$0x3FB7] =	sst s9;
	s0 =	simm.s32 @!p0 $0x0  }
0x12: {  	s1 =	sld [smem:$0x3F9D];
	s0 =	simm.s32 @p0 $0x1  }
0x13: {  	[smem:$0x3FB8] =	sst s0;
	s0 =	simm.s32 @!p1 $0x0  }
0x14: {  	s2 =	sld [smem:$0x3F9C];
	s0 =	simm.s32 @p1 $0x1  }
0x15: {  	[smem:$0x3FB9] =	sst s0;
	s0 =	simm.s32 @!p2 $0x0  }
0x16: {  	s3 =	sld [smem:$0x3FDB];
	s0 =	simm.s32 @p2 $0x1  }
0x17: {  	s4 =	simm.s32 $0x1BF5;
	[smem:$0x3FBB] =	sst s0  }
0x18: {  	s0 =	sld [smem:$0x3F9E];
	_ =	swait.ge [sflag:s4], $0x0  }
0x19: {  	s7 =	sld [smem:$0x3F9F]  }
0x1a: {  	s8 =	sadd.s32 $0xFFFFE003, lr  }
0x1b: {  	s9 =	sadd.s32 $0xFFFFFEF7, lr;
	s5 =	simm.s32 $0xFFFFFFFF;
	p2 =	slt.u32 s8, $0xFFFFF086  }
0x1c: {  	p1 =	slt.u32 s9, $0xF7A;
	s5 =	simm.s32 @!p2 $0x0  }
0x1d: {  	s5 =	simm.s32 @p1 $0x1;
	p0 =	seq.s32 s7, s2  }
0x1e: {  	s7 =	smul.u32 @!p0 $0xF7A, s2;
	p2 =	seq.s32 @!p0 s5, $0x0  }
0x1f: {  	s9 =	smul.u32 $0xF7A, s1;
	s8 =	simm.s32 @!p0 $0x1BF5;
	p2 =	por !p2, p0  }
0x20: {  	[sflag:s8] =	ssyncset.s32 @!p0 $0xFFFFF086;
	s6 =	sadd.s32 @!p0 s3, s7;
	s7 =	simm.s32 @!p0 $0x108  }
0x21: {  	s3 =	sadd.s32 s3, s9;
	s6 =	sadd.s32 @!p0 $0x88, s6;
	s7 =	simm.s32 @p2 $0x1082  }
0x22: {  	[simem:s7], [sflag:s8] =	dma.local @!p0 [hbm:s6], $0xF7A  }
0x23: {  	s9 =	sor.u32 $0xD0000000, s2;
	s6 =	simm.s32 $0x108;
	_ =	swait.ge @!p0 [sflag:s8], $0x0  }
0x24: {  	s3 =	sadd.s32 $0x88, s3;
	s6 =	simm.s32 @!p1 $0x1082;
	[sflag:s4] =	ssyncset.s32 $0xFFFFF086  }
0x25: {  	[simem:s6], [sflag:s4] =	dma.local [hbm:s3], $0xF7A  }
0x26: {  	[smem:$0x3F9F] =	sst s1;
	(tag) =	ssettag s2;
	_ =	strace s9  }
0x27: {  	s1 =	sld [smem:$0x3FAF]  }
0x28: {  	s2 =	sld [smem:$0x3FB0]  }
0x29: {  	s4 =	sld [smem:$0x3FB2]  }
0x2a: {  	p0 =	seq.s32 s5, $0x0;
	s5 =	sld [smem:$0x3FB3]  }
0x2b: {  	s6 =	sld [smem:$0x3FB4]  }
0x2c: {  	s7 =	sld [smem:$0x3FB5]  }
0x2d: {  	s3 =	simm.s32 $0x108;
	s8 =	sld [smem:$0x3FB6]  }
0x2e: {  	s3 =	simm.s32 @!p0 $0x1082;
	s9 =	sld [smem:$0x3FB7]  }
0x2f: {  	lr =	sadd.s32 s0, s3;
	s0 =	sld [smem:$0x3FAE]  }
0x30: {  	s3 =	sld [smem:$0x3FB1]  }
0x31: {  	[smem:$0x3FBA] =	sst s10  }
0x32: {  	s10 =	sld [smem:$0x3FB8];
	_ =	sdelay $0x3  }
0x33: {  	p0 =	seq.s32 s10, $0x1;
	s10 =	sld [smem:$0x3FBA];
	_ =	sdelay $0x3  }
0x34: {  	[smem:$0x3FBA] =	sst s10  }
0x35: {  	s10 =	sld [smem:$0x3FB9];
	_ =	sdelay $0x3  }
0x36: {  	p1 =	seq.s32 s10, $0x1;
	s10 =	sld [smem:$0x3FBA];
	_ =	sdelay $0x3  }
0x37: {  	[smem:$0x3FBA] =	sst s10  }
0x38: {  	s10 =	sld [smem:$0x3FBB]  }
0x39: {  	_ = 	snop;
	(pc) =	sbr.ind lr, $3  }
0x3a: {  	_ = 	snop  }
0x3b: {  	_ = 	snop  }
0x3c: {  	p2 =	seq.s32 s10, $0x1;
	s10 =	sld [smem:$0x3FBA]  }
0x3d: {  	_ =	shalt  }
0x3e: {  	_ =	shalt  }
0x3f: {  	_ =	shalt  }
0x40: {  	_ =	shalt  }
0x41: {  	_ =	shalt  }
0x42: {  	_ =	shalt  }
0x43: {  	_ =	shalt  }
0x44: {  	_ =	shalt  }
0x45: {  	_ =	shalt  }
0x46: {  	_ =	shalt  }
0x47: {  	_ =	shalt  }
0x48: {  	_ =	shalt  }
0x49: {  	_ =	shalt  }
0x4a: {  	_ =	shalt  }
0x4b: {  	_ =	shalt  }
0x4c: {  	_ =	shalt  }
0x4d: {  	_ =	shalt  }
0x4e: {  	_ =	shalt  }
0x4f: {  	_ =	shalt  }
0x50: {  	_ =	shalt  }
0x51: {  	_ =	shalt  }
0x52: {  	_ =	shalt  }
0x53: {  	_ =	shalt  }
0x54: {  	_ =	shalt  }
0x55: {  	_ =	shalt  }
0x56: {  	_ =	shalt  }
0x57: {  	_ =	shalt  }
0x58: {  	_ =	shalt  }
0x59: {  	_ =	shalt  }
0x5a: {  	_ =	shalt  }
0x5b: {  	_ =	shalt  }
0x5c: {  	_ =	shalt  }
0x5d: {  	_ =	shalt  }
0x5e: {  	_ =	shalt  }
0x5f: {  	_ =	shalt  }
0x60: {  	_ =	shalt  }
0x61: {  	_ =	shalt  }
0x62: {  	_ =	shalt  }
0x63: {  	_ =	shalt  }
0x64: {  	_ =	shalt  }
0x65: {  	_ =	shalt  }
0x66: {  	_ =	shalt  }
0x67: {  	_ =	shalt  }
0x68: {  	_ =	shalt  }
0x69: {  	_ =	shalt  }
0x6a: {  	_ =	shalt  }
0x6b: {  	_ =	shalt  }
0x6c: {  	_ =	shalt  }
0x6d: {  	_ =	shalt  }
0x6e: {  	_ =	shalt  }
0x6f: {  	_ =	shalt  }
0x70: {  	_ =	shalt  }
0x71: {  	_ =	shalt  }
0x72: {  	_ =	shalt  }
0x73: {  	_ =	shalt  }
0x74: {  	_ =	shalt  }
0x75: {  	_ =	shalt  }
0x76: {  	_ =	shalt  }
0x77: {  	_ =	shalt  }
0x78: {  	_ =	shalt  }
0x79: {  	_ =	shalt  }
0x7a: {  	_ =	shalt  }
0x7b: {  	_ =	shalt  }
0x7c: {  	_ =	shalt  }
0x7d: {  	_ =	shalt  }
0x7e: {  	_ =	shalt  }
0x7f: {  	_ =	shalt  }
0x80: {  	_ =	shalt  }
0x81: {  	_ =	shalt  }
0x82: {  	_ =	shalt  }
0x83: {  	_ =	shalt  }
0x84: {  	_ =	shalt  }
0x85: {  	_ =	shalt  }
0x86: {  	_ =	shalt  }
0x87: {  	_ =	shalt  }
.Lfunc_end0:
.L_simem_size_0:
called_computation_lowered:
.L_overlay_start_0:
0x88: {  	s2 =	sld [smem:$0x3FD9]  }
0x89: {  	s3 =	sld [smem:$0x3FFE];
	_ =	sdelay $0x1  }
0x8a: {  	s1 =	srdreg.scid  }
0x8b: {  	s0 =	sand.u32 $0x1, s1  }
0x8c: {  	s14 =	sshll.u32 s0, $0xA;
	s2 =	sadd.s32 s3, s2  }
0x8d: {  	s2 =	sadd.s32 s2, s14  }
0x8e: {  	[smem:$0x3FC6] =	sst s2  }
0x8f: {  	_ = 	snop  }
0x90: {  	s2 =	sld [smem:$0x3FD0];
	_ =	sdelay $0x2  }
0x91: {  	s15 =	simm.s32 $0xA;
	s4 =	simm.s32 $0x10  }
0x92: {  	[smem:s4], [sflag:s15] =	dma.local [hbm:s2], $0x1  }
0x93: {  	_ =	swait.eq [sflag:s15], $0x1  }
0x94: {  	s16 =	sld [smem:$0x10]  }
0x95: {  	s17 =	sld [smem:$0x11];
	[sflag:s15] =	ssyncset.done $0x0  }
0x96: {  	s5 =	sld [smem:$0x12];
	[sflag:s15] =	ssyncadd.s32 $0xFFFFFFFF  }
0x97: {  	s18 =	sld [smem:$0x13];
	(tm) =	ssettm $0x1  }
0x98: {  	s6 =	sld [smem:$0x3FFB];
	_ =	sdelay $0x3  }
0x99: {  	_ =	strace s6  }
0x9a: {  	s6 =	sld [smem:$0x3FFC];
	_ =	sdelay $0x3  }
0x9b: {  	_ =	strace s6  }
0x9c: {  	s6 =	sld [smem:$0x3FFD];
	_ =	sdelay $0x3  }
0x9d: {  	_ =	strace s6  }
0x9e: {  	_ =	strace $0x8FFFFFFF  }
0x9f: {  	s19 =	sld [smem:$0x3FDB];
	_ =	sdelay $0x1  }
0xa0: {  	s7 =	simm.s32 $_scs_section_size  }
0xa1: {  	s8 =	simm.s32 $_size__tile_overlayer_lowered;
	s9 =	simm.s32 $_tile_overlayer_lowered  }
0xa2: {  	s22 =	simm.s32 $0x1BFF;
	s21 =	sshll.u32 s9, $0x1;
	s6 =	sadd.s32 s7, s19  }
0xa3: {  	s10 =	simm.s32 $0x0;
	s20 =	sshll.u32 s8, $0x1;
	s8 =	sadd.s32 s21, s6  }
0xa4: {  	[timem:s10], [sflag:s22] =	dma.local [hbm:s8], s20  }
0xa5: {  	_ =	swait.ge [sflag:s22], s20  }
0xa6: {  	s7 =	ssub.s32 $0x0, s20;
	[sflag:s22] =	ssyncset.done $0x0  }
0xa7: {  	[sflag:s22] =	ssyncadd.s32 s7;
	_ =	sdelay $0x1  }
0xa8: {  	s23 =	simm.s32 $0x1B8B  }
0xa9: {  	_ =	swait.ge [sflag:s23], $0x1  }
0xaa: {  	[sflag:s23] =	ssyncset.done $0x0  }
0xab: {  	s25 =	simm.s32 $0x1B8E;
	s24 =	sld [smem:$0x3FFE];
	[sflag:s23] =	ssyncadd.s32 $0xFFFFFFFF  }
0xac: {  	s26 =	simm.s32 $execute0_lowered;
	[smem:$0x3FD2] =	sst s25  }
0xad: {  	s8 =	sshll.u32 s26, $0x1;
	_ =	strace $0x80000046;
	[dreg:$0x1] =	wrdreg $0xFFFFFFFF  }
0xae: {  	s28 =	simm.s32 $_size_execute0_lowered;
	s6 =	sadd.s32 s6, s8;
	[dreg:$0x0] =	wrdreg $0x0  }
0xaf: {  	s8 =	sshll.u32 s28, $0x1;
	[dreg:$0x2] =	wrdreg s6  }
0xb0: {  	[dreg:$0x3] =	wrdreg s8  }
0xb1: {  	[dreg:$0x4] =	wrdreg $0xC0  }
0xb2: {  	_ =	task [dreg:s10], $0x5FFFF  }
0xb3: {  	[dreg:$0x1] =	wrdreg $0xFFFFFFFF  }
0xb4: {  	[dreg:$0x0] =	wrdreg $0x60  }
0xb5: {  	[dreg:$0x2] =	wrdreg s24  }
0xb6: {  	[dreg:$0x3] =	wrdreg s16  }
0xb7: {  	[dreg:$0x4] =	wrdreg s17  }
0xb8: {  	[dreg:$0x5] =	wrdreg s5  }
0xb9: {  	[dreg:$0x6] =	wrdreg s18  }
0xba: {  	[dreg:$0x7] =	wrdreg $0x9  }
0xbb: {  	_ =	task.clear_ibuf [dreg:s10], $0x8FFFF;
	_ =	strace $0x90000046  }
0xbc: {  	s29 =	simm.s32 $0x9;
	_ =	strace $0x80000048  }
0xbd: {  	_ =	swait.ge [sflag:s29], $0x1  }
0xbe: {  	[sflag:s29] =	ssyncadd.s32 $0xFFFFFFFF  }
0xbf: {  	_ =	strace $0x90000048  }
0xc0: {  	_ =	sfence  }
0xc1: {  	s30 =	sld [smem:$0x0];
	_ =	sdelay $0x2  }
0xc2: {  	s31 =	sshll.u32 s1, $0xD;
	s1 =	sshrl.u32 s1, $0x2  }
0xc3: {  	s3 =	sand.u32 $0x4000, s31;
	s1 =	sadd.s32 s1, s30  }
0xc4: {  	s0 =	sor.u32 s3, s0;
	s1 =	sshll.u32 s1, $0x11  }
0xc5: {  	s0 =	sor.u32 s1, s0  }
0xc6: {  	s0 =	sadd.s32 $0x8F2B, s0  }
0xc7: {  	[sflag:s0] =	ssyncadd.remote.s32 $0x1  }
0xc8: {  	_ =	sfence.sel $0xFFFF  }
0xc9: {  	[dreg:$0x0] =	wrdreg $0xFFFFFFFF;
	(pc) =	sbr.abs _section_cstart, $3  }
0xca: {  	[dreg:$0x1] =	wrdreg $0xFFFFFFFF  }
0xcb: {  	_ =	task.clear_ibuf [dreg:s10], $0x2FFFF;
	_ =	strace $0x9FFFFFFF  }
0xcc: {  	(tm) =	ssettm $0x7FFFFFFF  }
0xcd: {  	_ =	shalt  }
tec
execute0_lowered:
.L_overlay_start_1:
0x0: {  	(tag) =	ssettag $0x1  }
0x1: {  	s0 =	rddreg [dreg:$0x0]  }
0x2: {  	s1 =	rddreg [dreg:$0x1]  }
0x3: {  	s2 =	rddreg [dreg:$0x2]  }
0x4: {  	s3 =	rddreg [dreg:$0x3]  }
0x5: {  	s5 =	rddreg [dreg:$0x4]  }
0x6: {  	s6 =	simm.s32 $0x0;
	s15 =	stileid.u32;
	s4 =	srdreg.scid  }
0x7: {  	s30 =	simm.s32 $0x3;
	s31 =	simm.s32 $0x6400;
	[smem:$0x7FF] =	sst s6  }
0x8: {  	s7 =	sshll.u32 s15, $0x1;
	s4 =	sand.u32 $0x1, s4;
	s8 =	sshll.u32 s15, $0x1E  }
0x9: {  	s11 =	sadd.s32 $0xA00, s0;
	s9 =	sadd.s32 $0x6E00, s0;
	s10 =	sadd.s32 $0x7000, s0  }
0xa: {  	s26 =	sshrl.u32 s15, $0x2;
	s15 =	sshrl.u32 s15, $0x1;
	_ =	strace $0x80000047  }
0xb: {  	s7 =	sand.u32 $0x2, s7;
	s25 =	sshra.s32 s8, $0x1F;
	s15 =	sand.u32 $0x1, s15  }
0xc: {  	p0 =	sgt.s32 s26, $0x1;
	p1 =	seq.s32 s26, $0x0;
	s19 =	smul.u32 $0xC80, s15  }
0xd: {  	p2 =	seq.s32 s26, $0x2;
	s12 =	sor.u32 s4, s7;
	s21 =	smul.u32 $0x3E8000, s15  }
0xe: {  	s4 =	ssub.s32 $0x2, s4;
	s7 =	sand.u32 $0x19, s25;
	s8 =	smul.u32 $0xA000, s12  }
0xf: {  	p3 =	sne.s32 s26, $0x3;
	s13 =	sshrl.u32 s4, $0x1;
	s14 =	smul.u32 $0x28000, s7  }
0x10: {  	s12 =	smul.u32 $0x28, s12;
	s28 =	sshll.u32 s7, $0x7;
	s0 =	ssub.s32 s4, s13  }
0x11: {  	s13 =	sadd.s32 s28, s11;
	s11 =	sadd.s32 s11, s19;
	s14 =	sadd.s32 s8, s14  }
0x12: {  	s16 =	sadd.s32 $0x1900, s13;
	[dreg:$0xb] =	wrdreg s11;
	s24 =	sadd.s32 s21, s8  }
0x13: {  	v0 =	vmov s12;
	s11 =	simm.s32 $0x1;
	s12 =	simm.s32 $0x2;
	s14 =	sshrl.u32 s14, $0x3  }
0x14: {  	[dreg:$0x6] =	wrdreg s16;
	s4 =	sshrl.u32 s24, $0x3;
	s17 =	sadd.s32 s2, s14  }
0x15: {  	s29 =	sadd.s32 $0x5000, s14;
	s20 =	sadd.s32 s3, s14;
	[dreg:$0x7] =	wrdreg s17  }
0x16: {  	s24 =	smul.u32 $0x19, s15;
	s18 =	sadd.s32 s2, s29;
	[dreg:$0xa] =	wrdreg s20  }
0x17: {  	s22 =	sadd.s32 $0x78000, s14;
	s23 =	sadd.s32 s3, s29;
	[dreg:$0x8] =	wrdreg s18  }
0x18: {  	s19 =	sadd.s32 s5, s14;
	s25 =	sadd.s32 s2, s22;
	[dreg:$0xc] =	wrdreg s23  }
0x19: {  	s20 =	sadd.s32 s5, s29;
	s26 =	sadd.s32 s3, s22;
	[dreg:$0xd] =	wrdreg s25  }
.Ltmp0:
0x1a: {  	s18 =	sadd.s32 $0x3200, s13;
	[dreg:$0xe] =	wrdreg s26;
	(pc) =	sbr.rel .LBB2_1-.Ltmp0, $4  }
0x1b: {  	s23 =	sadd.s32 s5, s22;
	s25 =	sadd.s32 s1, s4;
	s26 =	smax.u32 s0, $0x1  }
0x1c: {  	s0 =	simm.s32 $0x6500;
	[dreg:$0x9] =	wrdreg s18;
	s28 =	sadd.s32 $0x5000, s25  }
0x1d: {  	s4 =	simm.s32 $0x10500;
	s29 =	sadd.s32 $0x78000, s25;
	[dreg:$0xf] =	wrdreg s28  }
0x1e: {  	v1 =	vlaneseq.u32;
	v2 =	vimm.f32 $0.0e+00;
	s18 =	sadd.s32 $0x4B00, s13;
	s13 =	simm.s32 $0x0;
	[dreg:$0x10] =	wrdreg s29  }
.LBB2_56:
0x1f: {  	[hbm4b:s14+s6] =	stream.linear.scatter [tilespmem:s0], [sflag:$0x1], $0xA000, $0x38;
	[tilespmem:$0x1A500] =	vst v63  }
0x20: {  	_ =	swait.ge [sflag:s12], $0xA000  }
0x21: {  	[sflag:s12] =	ssyncset.done $0x0  }
0x22: {  	[sflag:s12] =	ssyncadd.s32 $0xFFFF6000  }
0x23: {  	_ =	swait.ge [sflag:s11], $0xA000  }
0x24: {  	[sflag:s11] =	ssyncset.done $0x0  }
0x25: {  	[sflag:s11] =	ssyncadd.s32 $0xFFFF6000  }
.LBB2_57:
0x26: {  	s13 =	sadd.s32 $0x1, s13  }
0x27: {  	p4 =	sne.s32 s13, s26  }
.Ltmp1:
0x28: {  	_ = 	snop;
	(pc) =	sbr.rel @!p4 .LBB2_58-.Ltmp1, $1  }
0x29: {  	_ =	sdelay $0x3  }
.LBB2_1:
.Ltmp2:
0x2a: {  	(pc) =	sbr.rel @p0 .LBB2_29-.Ltmp2, $1  }
0x2b: {  	_ =	sdelay $0x3  }
.Ltmp3:
0x2c: {  	(pc) =	sbr.rel @!p1 .LBB2_16-.Ltmp3, $2  }
0x2d: {  	_ =	sdelay $0x2  }
0x2e: {  	s14 =	simm.s32 $0x0  }
0x2f: {  	s15 =	rddreg [dreg:$0xb]  }
0x30: {  	[tilespmem:s14], [sflag:$0x3] =	stream.linear.gather [hbm4b:s15+s14], $0x6400, $0x38;
	[tilespmem:$0x1A500] =	vst v63  }
0x31: {  	_ =	swait.ge [sflag:s30], $0x6400  }
0x32: {  	[sflag:s30] =	ssyncset.done $0x0  }
0x33: {  	[sflag:s30] =	ssyncadd.s32 $0xFFFF9C00  }
0x34: {  	[tilespmem:s31], [sflag:$0x3] =	stream.linear.gather [hbm4b:s9+s14], $0x100, $0x38;
	[tilespmem:$0x1A500] =	vst v63  }
0x35: {  	_ =	swait.ge [sflag:s30], $0x100  }
0x36: {  	[sflag:s30] =	ssyncset.done $0x0  }
0x37: {  	[sflag:s30] =	ssyncadd.s32 $0xFFFFFF00  }
0x38: {  	[tilespmem:s0], [sflag:$0x3] =	stream.linear.gather [hbm4b:s10+s14], $0xA000, $0x38;
	[tilespmem:$0x1A500] =	vst v63  }
0x39: {  	_ =	swait.ge [sflag:s30], $0xA000  }
0x3a: {  	[sflag:s30] =	ssyncset.done $0x0  }
0x3b: {  	[sflag:s30] =	ssyncadd.s32 $0xFFFF6000  }
0x3c: {  	[tilespmem:s4], [sflag:$0x3] =	stream.linear.gather [hbm4b:s10+s14], $0xA000, $0x38;
	[tilespmem:$0x1A500] =	vst v63  }
0x3d: {  	_ =	swait.ge [sflag:s30], $0xA000  }
0x3e: {  	[sflag:s30] =	ssyncset.done $0x0  }
0x3f: {  	[sflag:s30] =	ssyncadd.s32 $0xFFFF6000  }
0x40: {  	v4 =	vld [tilespmem:s14+$0x0];
	_ =	sdelay $0x4  }
0x41: {  	v3 =	vsub.s32 v4, v0  }
0x42: {  	vm0 =	vlt.u32 v3, $0x28  }
0x43: {  	v5 =	vmov s14  }
0x44: {  	v6 =	vor.u32 s14, v1;
	v5 =	vshll.u32 v5, $0x3  }
0x45: {  	v6 =	vand.u32 $0x7F, v6;
	v5 =	vand.u32 $0x1C00, v5;
	v7 =	vshll.u32 v4, $0x7  }
0x46: {  	v5 =	vor.u32 v5, v6;
	v3 =	vshll.u32 v3, $0xA;
	v7 =	vand.u32 $0x380, v7  }
0x47: {  	v3 =	vand.u32 $0xFFFFE000, v3;
	v5 =	vor.u32 v7, v5  }
0x48: {  	s15 =	simm.s32 $0x10;
	v3 =	vor.u32 v3, v5;
	v4 =	vld.idx.msk [tilespmem:v4+s31+$0x0], vm0  }
.LBB2_4:
0x49: {  	_ =	sdelay $0x2  }
0x4a: {  	p4 =	sne.s32 s15, $0x3F0  }
0x4b: {  	s14 =	sadd.s32 $0x10, s14;
	s16 =	smov.u32 s15;
	s15 =	sadd.s32 $0x10, s15;
	[tilespmem:v3+s0+$0x0] =	vst.idx.msk vm0, v4  }
0x4c: {  	v4 =	vld [tilespmem:s14+$0x0];
	_ =	sdelay $0x2  }
0x4d: {  	v3 =	vmov s16  }
0x4e: {  	v5 =	vor.u32 s16, v1;
	v3 =	vshll.u32 v3, $0x3  }
0x4f: {  	v3 =	vand.u32 $0x1C00, v3;
	v6 =	vsub.s32 v4, v0;
	v7 =	vshll.u32 v4, $0x7  }
0x50: {  	v5 =	vand.u32 $0x7F, v5;
	vm0 =	vlt.u32 v6, $0x28;
	v6 =	vshll.u32 v6, $0xA  }
0x51: {  	v3 =	vor.u32 v3, v5;
	v7 =	vand.u32 $0x380, v7;
	v6 =	vand.u32 $0xFFFFE000, v6  }
.Ltmp4:
0x52: {  	v3 =	vor.u32 v7, v3;
	(pc) =	sbr.rel @p4 .LBB2_4-.Ltmp4, $2  }
0x53: {  	v3 =	vor.u32 v6, v3;
	_ =	sdelay $0x2  }
0x54: {  	v4 =	vld.idx.msk [tilespmem:v4+s31+$0x0], vm0  }
0x55: {  	_ =	sdelay $0x3  }
0x56: {  	s14 =	simm.s32 $0x0  }
0x57: {  	s15 =	sand.u32 $0x3F0, s14;
	[tilespmem:v3+s0+$0x0] =	vst.idx.msk vm0, v4  }
0x58: {  	[hbm4b:s25+s14] =	stream.linear.scatter [tilespmem:s0], [sflag:$0x1], $0xA000, $0x38;
	[tilespmem:$0x1A500] =	vst v63  }
0x59: {  	v4 =	vld [tilespmem:s15+$0x400];
	_ =	sdelay $0x4  }
0x5a: {  	v3 =	vsub.s32 v4, v0  }
0x5b: {  	vm0 =	vlt.u32 v3, $0x28  }
0x5c: {  	v5 =	vmov s14  }
0x5d: {  	v6 =	vor.u32 s14, v1;
	v5 =	vshll.u32 v5, $0x3  }
0x5e: {  	v6 =	vand.u32 $0x7F, v6;
	v5 =	vand.u32 $0x1C00, v5;
	v7 =	vshll.u32 v4, $0x7  }
0x5f: {  	v5 =	vor.u32 v5, v6;
	v3 =	vshll.u32 v3, $0xA;
	v7 =	vand.u32 $0x380, v7  }
0x60: {  	v3 =	vand.u32 $0xFFFFE000, v3;
	v5 =	vor.u32 v7, v5  }
0x61: {  	s14 =	simm.s32 $0x10;
	s15 =	simm.s32 $0x20;
	v3 =	vor.u32 v3, v5;
	v4 =	vld.idx.msk [tilespmem:v4+s31+$0x0], vm0  }
.LBB2_6:
0x62: {  	_ =	sdelay $0x2  }
0x63: {  	p4 =	sne.s32 s15, $0x3F0  }
0x64: {  	s16 =	sand.u32 $0x3F0, s14;
	s17 =	smov.u32 s15;
	s15 =	sadd.s32 $0x10, s15;
	[tilespmem:v3+s4+$0x0] =	vst.idx.msk vm0, v4  }
0x65: {  	v4 =	vld [tilespmem:s16+$0x400];
	_ =	sdelay $0x2  }
0x66: {  	v3 =	vmov s14  }
0x67: {  	v5 =	vor.u32 s14, v1;
	s14 =	smov.u32 s17;
	v3 =	vshll.u32 v3, $0x3  }
0x68: {  	v3 =	vand.u32 $0x1C00, v3;
	v6 =	vsub.s32 v4, v0;
	v7 =	vshll.u32 v4, $0x7  }
0x69: {  	v5 =	vand.u32 $0x7F, v5;
	vm0 =	vlt.u32 v6, $0x28;
	v6 =	vshll.u32 v6, $0xA  }
0x6a: {  	v3 =	vor.u32 v3, v5;
	v7 =	vand.u32 $0x380, v7;
	v6 =	vand.u32 $0xFFFFE000, v6  }
.Ltmp5:
0x6b: {  	v3 =	vor.u32 v7, v3;
	(pc) =	sbr.rel @p4 .LBB2_6-.Ltmp5, $2  }
0x6c: {  	v3 =	vor.u32 v6, v3;
	_ =	sdelay $0x2  }
0x6d: {  	v4 =	vld.idx.msk [tilespmem:v4+s31+$0x0], vm0  }
0x6e: {  	_ =	sdelay $0x4  }
0x6f: {  	s15 =	sand.u32 $0x3F0, s14;
	[tilespmem:v3+s4+$0x0] =	vst.idx.msk vm0, v4  }
0x70: {  	v3 =	vld [tilespmem:s15+$0x400];
	_ =	sdelay $0x4  }
0x71: {  	v63 =	vsub.s32 v3, v0  }
0x72: {  	vm15 =	vlt.u32 v63, $0x28  }
0x73: {  	v5 =	vmov s14  }
0x74: {  	v6 =	vor.u32 s14, v1;
	v5 =	vshll.u32 v5, $0x3  }
0x75: {  	v6 =	vand.u32 $0x7F, v6;
	v5 =	vand.u32 $0x1C00, v5;
	v7 =	vshll.u32 v3, $0x7  }
0x76: {  	v5 =	vor.u32 v5, v6;
	v4 =	vshll.u32 v63, $0xA;
	v7 =	vand.u32 $0x380, v7  }
0x77: {  	v4 =	vand.u32 $0xFFFFE000, v4;
	v5 =	vor.u32 v7, v5  }
0x78: {  	v4 =	vor.u32 v4, v5;
	v3 =	vld.idx.msk [tilespmem:v3+s31+$0x0], vm15;
	_ =	sdelay $0x4  }
0x79: {  	s29 =	rddreg [dreg:$0xf];
	s14 =	simm.s32 $0x1;
	[tilespmem:v4+s4+$0x0] =	vst.idx.msk vm15, v3  }
0x7a: {  	[hbm4b:s29+s6] =	stream.linear.scatter [tilespmem:s4], [sflag:$0x2], $0xA000, $0x38;
	[tilespmem:$0x1A500] =	vst v63  }
.LBB2_8:
0x7b: {  	_ =	swait.ge [sflag:s11], $0xA000;
	s15 =	sshll.u32 s14, $0xB  }
0x7c: {  	[sflag:s11] =	ssyncset.done $0x0;
	s15 =	sand.u32 $0x3FFFF800, s15  }
0x7d: {  	s17 =	simm.s32 $0x0;
	[sflag:s11] =	ssyncadd.s32 $0xFFFF6000;
	s16 =	sadd.s32 $0xFFFFF800, s15  }
.LBB2_9:
0x7e: {  	s22 =	sand.u32 $0x380, s17  }
0x7f: {  	s28 =	sand.u32 $0x70, s17;
	s21 =	sadd.s32 s22, s16  }
0x80: {  	s21 =	sadd.s32 s28, s21  }
0x81: {  	v3 =	vld [tilespmem:s21+$0x0];
	_ =	sdelay $0x4  }
0x82: {  	v4 =	vsub.s32 v3, v0  }
0x83: {  	v5 =	vmov s17;
	v3 =	vshll.u32 v3, $0x7;
	v6 =	vshll.u32 v4, $0xA  }
0x84: {  	v5 =	vshll.u32 v5, $0x3;
	v3 =	vand.u32 $0x380, v3;
	v6 =	vand.u32 $0xFFFFE000, v6  }
0x85: {  	v7 =	vor.u32 s17, v1;
	v5 =	vand.u32 $0x1C00, v5;
	v3 =	vor.u32 v6, v3  }
0x86: {  	v61 =	vand.u32 $0x7F, v7;
	vm0 =	vlt.u32 v4, $0x28;
	v3 =	vor.u32 v5, v3  }
0x87: {  	v3 =	vor.u32 v61, v3;
	_ =	sdelay $0x3  }
0x88: {  	s29 =	sadd.s32 s22, s15  }
0x89: {  	s21 =	sadd.s32 s28, s29;
	[tilespmem:v3+s0+$0x0] =	vst.idx.msk vm0, v2  }
0x8a: {  	v3 =	vld [tilespmem:s21+$0x0];
	_ =	sdelay $0x4  }
0x8b: {  	v62 =	vsub.s32 v3, v0  }
0x8c: {  	vm15 =	vlt.u32 v62, $0x28;
	_ =	sdelay $0x1  }
0x8d: {  	v63 =	vshll.u32 v3, $0x7;
	v6 =	vshll.u32 v62, $0xA  }
0x8e: {  	v7 =	vand.u32 $0x380, v63;
	v6 =	vand.u32 $0xFFFFE000, v6  }
0x8f: {  	v6 =	vor.u32 v6, v7  }
0x90: {  	v5 =	vor.u32 v5, v6  }
0x91: {  	p4 =	sne.s32 s17, $0x3F0;
	v4 =	vor.u32 v61, v5;
	v3 =	vld.idx.msk [tilespmem:v3+s31+$0x0], vm15  }
.Ltmp6:
0x92: {  	_ = 	snop;
	(pc) =	sbr.rel @p4 .LBB2_9-.Ltmp6, $2  }
0x93: {  	_ =	sdelay $0x2  }
0x94: {  	s17 =	sadd.s32 $0x10, s17;
	[tilespmem:v4+s0+$0x0] =	vst.idx.msk vm15, v3  }
0x95: {  	s16 =	sshll.u32 s14, $0x1  }
0x96: {  	s16 =	sadd.s32 s24, s16  }
0x97: {  	s16 =	smul.u32 $0x28000, s16;
	_ =	sdelay $0x1  }
0x98: {  	s16 =	sadd.s32 s8, s16  }
0x99: {  	s16 =	sshrl.u32 s16, $0x3  }
0x9a: {  	s17 =	sadd.s32 s1, s16;
	s16 =	simm.s32 $0x0  }
0x9b: {  	[hbm4b:s17+s16] =	stream.linear.scatter [tilespmem:s0], [sflag:$0x1], $0xA000, $0x38;
	[tilespmem:$0x1A500] =	vst v63  }
0x9c: {  	s17 =	sshllo.u32 s14, $0x1;
	_ =	swait.ge [sflag:s12], $0xA000  }
0x9d: {  	s21 =	sshll.u32 s17, $0xA;
	[sflag:s12] =	ssyncset.done $0x0  }
0x9e: {  	s15 =	sadd.s32 $0xFFFFFC00, s15;
	s22 =	sand.u32 $0x3FFFFC00, s21;
	[sflag:s12] =	ssyncadd.s32 $0xFFFF6000  }
.LBB2_11:
0x9f: {  	s21 =	sand.u32 $0x380, s16  }
0xa0: {  	s28 =	sand.u32 $0x70, s16;
	s29 =	sadd.s32 s21, s15  }
0xa1: {  	s29 =	sadd.s32 s28, s29  }
0xa2: {  	v3 =	vld [tilespmem:s29+$0x0];
	_ =	sdelay $0x4  }
0xa3: {  	v4 =	vsub.s32 v3, v0  }
0xa4: {  	v5 =	vmov s16;
	v3 =	vshll.u32 v3, $0x7;
	v6 =	vshll.u32 v4, $0xA  }
0xa5: {  	v5 =	vshll.u32 v5, $0x3;
	v3 =	vand.u32 $0x380, v3;
	v6 =	vand.u32 $0xFFFFE000, v6  }
0xa6: {  	v7 =	vor.u32 s16, v1;
	v5 =	vand.u32 $0x1C00, v5;
	v3 =	vor.u32 v6, v3  }
0xa7: {  	v61 =	vand.u32 $0x7F, v7;
	vm0 =	vlt.u32 v4, $0x28;
	v3 =	vor.u32 v5, v3  }
0xa8: {  	v3 =	vor.u32 v61, v3;
	_ =	sdelay $0x3  }
0xa9: {  	s21 =	sadd.s32 s21, s22  }
0xaa: {  	s21 =	sadd.s32 s28, s21;
	[tilespmem:v3+s4+$0x0] =	vst.idx.msk vm0, v2  }
0xab: {  	v3 =	vld [tilespmem:s21+$0x0];
	_ =	sdelay $0x4  }
0xac: {  	v62 =	vsub.s32 v3, v0  }
0xad: {  	vm15 =	vlt.u32 v62, $0x28;
	_ =	sdelay $0x1  }
0xae: {  	v63 =	vshll.u32 v3, $0x7;
	v6 =	vshll.u32 v62, $0xA  }
0xaf: {  	v7 =	vand.u32 $0x380, v63;
	v6 =	vand.u32 $0xFFFFE000, v6  }
0xb0: {  	v6 =	vor.u32 v6, v7  }
0xb1: {  	v5 =	vor.u32 v5, v6  }
0xb2: {  	p4 =	sne.s32 s16, $0x3F0;
	v4 =	vor.u32 v61, v5;
	v3 =	vld.idx.msk [tilespmem:v3+s31+$0x0], vm15  }
.Ltmp7:
0xb3: {  	_ = 	snop;
	(pc) =	sbr.rel @p4 .LBB2_11-.Ltmp7, $2  }
0xb4: {  	_ =	sdelay $0x2  }
0xb5: {  	s16 =	sadd.s32 $0x10, s16;
	[tilespmem:v4+s4+$0x0] =	vst.idx.msk vm15, v3  }
0xb6: {  	s15 =	sadd.s32 s24, s17;
	s14 =	sadd.s32 $0x1, s14  }
0xb7: {  	s15 =	smul.u32 $0x28000, s15;
	p4 =	sne.s32 s14, $0xC  }
.Ltmp8:
0xb8: {  	_ = 	snop;
	(pc) =	sbr.rel @p4 .LBB2_8-.Ltmp8, $4  }
0xb9: {  	s15 =	sadd.s32 s8, s15  }
0xba: {  	s15 =	sshrl.u32 s15, $0x3  }
0xbb: {  	s15 =	sadd.s32 s1, s15  }
0xbc: {  	[hbm4b:s15+s6] =	stream.linear.scatter [tilespmem:s4], [sflag:$0x2], $0xA000, $0x38;
	[tilespmem:$0x1A500] =	vst v63  }
0xbd: {  	_ =	swait.ge [sflag:s11], $0xA000  }
0xbe: {  	[sflag:s11] =	ssyncset.done $0x0  }
0xbf: {  	s14 =	simm.s32 $0x0;
	[sflag:s11] =	ssyncadd.s32 $0xFFFF6000  }
.LBB2_14:
0xc0: {  	s15 =	sand.u32 $0x3F0, s14  }
0xc1: {  	v3 =	vld [tilespmem:s15+$0x5800];
	_ =	sdelay $0x4  }
0xc2: {  	v4 =	vsub.s32 v3, v0  }
0xc3: {  	v5 =	vmov s14;
	v3 =	vshll.u32 v3, $0x7;
	v6 =	vshll.u32 v4, $0xA  }
0xc4: {  	v5 =	vshll.u32 v5, $0x3;
	v3 =	vand.u32 $0x380, v3;
	v6 =	vand.u32 $0xFFFFE000, v6  }
0xc5: {  	v7 =	vor.u32 s14, v1;
	v5 =	vand.u32 $0x1C00, v5;
	v3 =	vor.u32 v6, v3  }
0xc6: {  	v61 =	vand.u32 $0x7F, v7;
	vm0 =	vlt.u32 v4, $0x28;
	v3 =	vor.u32 v5, v3  }
0xc7: {  	v3 =	vor.u32 v61, v3;
	_ =	sdelay $0x4  }
0xc8: {  	[tilespmem:v3+s0+$0x0] =	vst.idx.msk vm0, v2  }
0xc9: {  	v3 =	vld [tilespmem:s15+$0x6000];
	_ =	sdelay $0x4  }
0xca: {  	v62 =	vsub.s32 v3, v0  }
0xcb: {  	vm15 =	vlt.u32 v62, $0x28;
	_ =	sdelay $0x1  }
0xcc: {  	v63 =	vshll.u32 v3, $0x7;
	v6 =	vshll.u32 v62, $0xA  }
0xcd: {  	v7 =	vand.u32 $0x380, v63;
	v6 =	vand.u32 $0xFFFFE000, v6  }
0xce: {  	v6 =	vor.u32 v6, v7  }
0xcf: {  	v5 =	vor.u32 v5, v6  }
0xd0: {  	p4 =	seq.s32 s14, $0x3F0;
	v4 =	vor.u32 v61, v5;
	v3 =	vld.idx.msk [tilespmem:v3+s31+$0x0], vm15  }
.Ltmp9:
0xd1: {  	_ = 	snop;
	(pc) =	sbr.rel @!p4 .LBB2_14-.Ltmp9, $2  }
0xd2: {  	_ =	sdelay $0x2  }
0xd3: {  	s14 =	sadd.s32 $0x10, s14;
	[tilespmem:v4+s0+$0x0] =	vst.idx.msk vm15, v3  }
.Ltmp10:
0xd4: {  	(pc) =	sbr.rel .LBB2_56-.Ltmp10, $2  }
0xd5: {  	_ =	sdelay $0x2  }
0xd6: {  	s14 =	rddreg [dreg:$0x10]  }
.LBB2_29:
.Ltmp11:
0xd7: {  	(pc) =	sbr.rel @!p2 .LBB2_43-.Ltmp11, $1  }
0xd8: {  	_ =	sdelay $0x3  }
0xd9: {  	s14 =	simm.s32 $0x0;
	s15 =	rddreg [dreg:$0x9]  }
0xda: {  	[tilespmem:s14], [sflag:$0x3] =	stream.linear.gather [hbm4b:s15+s14], $0x6400, $0x38;
	[tilespmem:$0x1A500] =	vst v63  }
0xdb: {  	_ =	swait.ge [sflag:s30], $0x6400  }
0xdc: {  	[sflag:s30] =	ssyncset.done $0x0  }
0xdd: {  	[sflag:s30] =	ssyncadd.s32 $0xFFFF9C00  }
0xde: {  	[tilespmem:s31], [sflag:$0x3] =	stream.linear.gather [hbm4b:s9+s14], $0x100, $0x38;
	[tilespmem:$0x1A500] =	vst v63  }
0xdf: {  	_ =	swait.ge [sflag:s30], $0x100  }
0xe0: {  	[sflag:s30] =	ssyncset.done $0x0  }
0xe1: {  	[sflag:s30] =	ssyncadd.s32 $0xFFFFFF00  }
0xe2: {  	[tilespmem:s0], [sflag:$0x3] =	stream.linear.gather [hbm4b:s10+s14], $0xA000, $0x38;
	[tilespmem:$0x1A500] =	vst v63  }
0xe3: {  	_ =	swait.ge [sflag:s30], $0xA000  }
0xe4: {  	[sflag:s30] =	ssyncset.done $0x0  }
0xe5: {  	[sflag:s30] =	ssyncadd.s32 $0xFFFF6000  }
0xe6: {  	[tilespmem:s4], [sflag:$0x3] =	stream.linear.gather [hbm4b:s10+s14], $0xA000, $0x38;
	[tilespmem:$0x1A500] =	vst v63  }
0xe7: {  	_ =	swait.ge [sflag:s30], $0xA000  }
0xe8: {  	[sflag:s30] =	ssyncset.done $0x0  }
0xe9: {  	[sflag:s30] =	ssyncadd.s32 $0xFFFF6000  }
0xea: {  	v4 =	vld [tilespmem:s14+$0x0];
	_ =	sdelay $0x4  }
0xeb: {  	v3 =	vsub.s32 v4, v0  }
0xec: {  	vm0 =	vlt.u32 v3, $0x28  }
0xed: {  	v5 =	vmov s14  }
0xee: {  	v6 =	vor.u32 s14, v1;
	v5 =	vshll.u32 v5, $0x3  }
0xef: {  	v6 =	vand.u32 $0x7F, v6;
	v5 =	vand.u32 $0x1C00, v5;
	v7 =	vshll.u32 v4, $0x7  }
0xf0: {  	v5 =	vor.u32 v5, v6;
	v3 =	vshll.u32 v3, $0xA;
	v7 =	vand.u32 $0x380, v7  }
0xf1: {  	v3 =	vand.u32 $0xFFFFE000, v3;
	v5 =	vor.u32 v7, v5  }
0xf2: {  	s15 =	simm.s32 $0x10;
	v3 =	vor.u32 v3, v5;
	v4 =	vld.idx.msk [tilespmem:v4+s31+$0x0], vm0  }
.LBB2_31:
0xf3: {  	_ =	sdelay $0x2  }
0xf4: {  	p4 =	sne.s32 s15, $0x3F0  }
0xf5: {  	s14 =	sadd.s32 $0x10, s14;
	s16 =	smov.u32 s15;
	s15 =	sadd.s32 $0x10, s15;
	[tilespmem:v3+s0+$0x0] =	vst.idx.msk vm0, v4  }
0xf6: {  	v4 =	vld [tilespmem:s14+$0x0];
	_ =	sdelay $0x2  }
0xf7: {  	v3 =	vmov s16  }
0xf8: {  	v5 =	vor.u32 s16, v1;
	v3 =	vshll.u32 v3, $0x3  }
0xf9: {  	v3 =	vand.u32 $0x1C00, v3;
	v6 =	vsub.s32 v4, v0;
	v7 =	vshll.u32 v4, $0x7  }
0xfa: {  	v5 =	vand.u32 $0x7F, v5;
	vm0 =	vlt.u32 v6, $0x28;
	v6 =	vshll.u32 v6, $0xA  }
0xfb: {  	v3 =	vor.u32 v3, v5;
	v7 =	vand.u32 $0x380, v7;
	v6 =	vand.u32 $0xFFFFE000, v6  }
.Ltmp12:
0xfc: {  	v3 =	vor.u32 v7, v3;
	(pc) =	sbr.rel @p4 .LBB2_31-.Ltmp12, $2  }
0xfd: {  	v3 =	vor.u32 v6, v3;
	_ =	sdelay $0x2  }
0xfe: {  	v4 =	vld.idx.msk [tilespmem:v4+s31+$0x0], vm0  }
0xff: {  	_ =	sdelay $0x3  }
0x100: {  	s14 =	simm.s32 $0x0  }
0x101: {  	s15 =	rddreg [dreg:$0xa];
	s29 =	sand.u32 $0x3F0, s14;
	[tilespmem:v3+s0+$0x0] =	vst.idx.msk vm0, v4  }
0x102: {  	[hbm4b:s15+s14] =	stream.linear.scatter [tilespmem:s0], [sflag:$0x1], $0xA000, $0x38;
	[tilespmem:$0x1A500] =	vst v63  }
0x103: {  	v4 =	vld [tilespmem:s29+$0x400];
	_ =	sdelay $0x4  }
0x104: {  	v3 =	vsub.s32 v4, v0  }
0x105: {  	vm0 =	vlt.u32 v3, $0x28  }
0x106: {  	v5 =	vmov s14  }
0x107: {  	v6 =	vor.u32 s14, v1;
	v5 =	vshll.u32 v5, $0x3  }
0x108: {  	v6 =	vand.u32 $0x7F, v6;
	v5 =	vand.u32 $0x1C00, v5;
	v7 =	vshll.u32 v4, $0x7  }
0x109: {  	v5 =	vor.u32 v5, v6;
	v3 =	vshll.u32 v3, $0xA;
	v7 =	vand.u32 $0x380, v7  }
0x10a: {  	v3 =	vand.u32 $0xFFFFE000, v3;
	v5 =	vor.u32 v7, v5  }
0x10b: {  	s14 =	simm.s32 $0x10;
	s15 =	simm.s32 $0x20;
	v3 =	vor.u32 v3, v5;
	v4 =	vld.idx.msk [tilespmem:v4+s31+$0x0], vm0  }
.LBB2_33:
0x10c: {  	_ =	sdelay $0x2  }
0x10d: {  	p4 =	sne.s32 s15, $0x3F0  }
0x10e: {  	s16 =	sand.u32 $0x3F0, s14;
	s17 =	smov.u32 s15;
	s15 =	sadd.s32 $0x10, s15;
	[tilespmem:v3+s4+$0x0] =	vst.idx.msk vm0, v4  }
0x10f: {  	v4 =	vld [tilespmem:s16+$0x400];
	_ =	sdelay $0x2  }
0x110: {  	v3 =	vmov s14  }
0x111: {  	v5 =	vor.u32 s14, v1;
	s14 =	smov.u32 s17;
	v3 =	vshll.u32 v3, $0x3  }
0x112: {  	v3 =	vand.u32 $0x1C00, v3;
	v6 =	vsub.s32 v4, v0;
	v7 =	vshll.u32 v4, $0x7  }
0x113: {  	v5 =	vand.u32 $0x7F, v5;
	vm0 =	vlt.u32 v6, $0x28;
	v6 =	vshll.u32 v6, $0xA  }
0x114: {  	v3 =	vor.u32 v3, v5;
	v7 =	vand.u32 $0x380, v7;
	v6 =	vand.u32 $0xFFFFE000, v6  }
.Ltmp13:
0x115: {  	v3 =	vor.u32 v7, v3;
	(pc) =	sbr.rel @p4 .LBB2_33-.Ltmp13, $2  }
0x116: {  	v3 =	vor.u32 v6, v3;
	_ =	sdelay $0x2  }
0x117: {  	v4 =	vld.idx.msk [tilespmem:v4+s31+$0x0], vm0  }
0x118: {  	_ =	sdelay $0x4  }
0x119: {  	s15 =	sand.u32 $0x3F0, s14;
	[tilespmem:v3+s4+$0x0] =	vst.idx.msk vm0, v4  }
0x11a: {  	v3 =	vld [tilespmem:s15+$0x400];
	_ =	sdelay $0x4  }
0x11b: {  	v63 =	vsub.s32 v3, v0  }
0x11c: {  	vm15 =	vlt.u32 v63, $0x28  }
0x11d: {  	v5 =	vmov s14  }
0x11e: {  	v6 =	vor.u32 s14, v1;
	v5 =	vshll.u32 v5, $0x3  }
0x11f: {  	v6 =	vand.u32 $0x7F, v6;
	v5 =	vand.u32 $0x1C00, v5;
	v7 =	vshll.u32 v3, $0x7  }
0x120: {  	v5 =	vor.u32 v5, v6;
	v4 =	vshll.u32 v63, $0xA;
	v7 =	vand.u32 $0x380, v7  }
0x121: {  	v4 =	vand.u32 $0xFFFFE000, v4;
	v5 =	vor.u32 v7, v5  }
0x122: {  	v4 =	vor.u32 v4, v5;
	v3 =	vld.idx.msk [tilespmem:v3+s31+$0x0], vm15;
	_ =	sdelay $0x4  }
0x123: {  	s29 =	rddreg [dreg:$0xc];
	s14 =	simm.s32 $0x1;
	[tilespmem:v4+s4+$0x0] =	vst.idx.msk vm15, v3  }
0x124: {  	[hbm4b:s29+s6] =	stream.linear.scatter [tilespmem:s4], [sflag:$0x2], $0xA000, $0x38;
	[tilespmem:$0x1A500] =	vst v63  }
.LBB2_35:
0x125: {  	_ =	swait.ge [sflag:s11], $0xA000;
	s15 =	sshll.u32 s14, $0xB  }
0x126: {  	[sflag:s11] =	ssyncset.done $0x0;
	s15 =	sand.u32 $0x3FFFF800, s15  }
0x127: {  	s17 =	simm.s32 $0x0;
	[sflag:s11] =	ssyncadd.s32 $0xFFFF6000;
	s16 =	sadd.s32 $0xFFFFF800, s15  }
.LBB2_36:
0x128: {  	s21 =	sand.u32 $0x380, s17  }
0x129: {  	s22 =	sand.u32 $0x70, s17;
	s28 =	sadd.s32 s21, s16  }
0x12a: {  	s28 =	sadd.s32 s22, s28  }
0x12b: {  	v3 =	vld [tilespmem:s28+$0x0];
	_ =	sdelay $0x4  }
0x12c: {  	v4 =	vsub.s32 v3, v0  }
0x12d: {  	v5 =	vmov s17;
	v3 =	vshll.u32 v3, $0x7;
	v6 =	vshll.u32 v4, $0xA  }
0x12e: {  	v5 =	vshll.u32 v5, $0x3;
	v3 =	vand.u32 $0x380, v3;
	v6 =	vand.u32 $0xFFFFE000, v6  }
0x12f: {  	v7 =	vor.u32 s17, v1;
	v5 =	vand.u32 $0x1C00, v5;
	v3 =	vor.u32 v6, v3  }
0x130: {  	v61 =	vand.u32 $0x7F, v7;
	vm0 =	vlt.u32 v4, $0x28;
	v3 =	vor.u32 v5, v3  }
0x131: {  	v3 =	vor.u32 v61, v3;
	_ =	sdelay $0x3  }
0x132: {  	s21 =	sadd.s32 s21, s15  }
0x133: {  	s21 =	sadd.s32 s22, s21;
	[tilespmem:v3+s0+$0x0] =	vst.idx.msk vm0, v2  }
0x134: {  	v3 =	vld [tilespmem:s21+$0x0];
	_ =	sdelay $0x4  }
0x135: {  	v62 =	vsub.s32 v3, v0  }
0x136: {  	vm15 =	vlt.u32 v62, $0x28;
	_ =	sdelay $0x1  }
0x137: {  	v63 =	vshll.u32 v3, $0x7;
	v6 =	vshll.u32 v62, $0xA  }
0x138: {  	v7 =	vand.u32 $0x380, v63;
	v6 =	vand.u32 $0xFFFFE000, v6  }
0x139: {  	v6 =	vor.u32 v6, v7  }
0x13a: {  	v5 =	vor.u32 v5, v6  }
0x13b: {  	p4 =	sne.s32 s17, $0x3F0;
	v4 =	vor.u32 v61, v5;
	v3 =	vld.idx.msk [tilespmem:v3+s31+$0x0], vm15  }
.Ltmp14:
0x13c: {  	_ = 	snop;
	(pc) =	sbr.rel @p4 .LBB2_36-.Ltmp14, $2  }
0x13d: {  	_ =	sdelay $0x2  }
0x13e: {  	s17 =	sadd.s32 $0x10, s17;
	[tilespmem:v4+s0+$0x0] =	vst.idx.msk vm15, v3  }
0x13f: {  	s16 =	sshll.u32 s14, $0x1  }
0x140: {  	s16 =	sadd.s32 s7, s16  }
0x141: {  	s16 =	smul.u32 $0x28000, s16;
	_ =	sdelay $0x1  }
0x142: {  	s16 =	sadd.s32 s8, s16  }
0x143: {  	s16 =	sshrl.u32 s16, $0x3  }
0x144: {  	s17 =	sadd.s32 s3, s16;
	s16 =	simm.s32 $0x0  }
0x145: {  	[hbm4b:s17+s16] =	stream.linear.scatter [tilespmem:s0], [sflag:$0x1], $0xA000, $0x38;
	[tilespmem:$0x1A500] =	vst v63  }
0x146: {  	s17 =	sshllo.u32 s14, $0x1;
	_ =	swait.ge [sflag:s12], $0xA000  }
0x147: {  	s21 =	sshll.u32 s17, $0xA;
	[sflag:s12] =	ssyncset.done $0x0  }
0x148: {  	s15 =	sadd.s32 $0xFFFFFC00, s15;
	s22 =	sand.u32 $0x3FFFFC00, s21;
	[sflag:s12] =	ssyncadd.s32 $0xFFFF6000  }
.LBB2_38:
0x149: {  	s21 =	sand.u32 $0x380, s16  }
0x14a: {  	s28 =	sand.u32 $0x70, s16;
	s29 =	sadd.s32 s21, s15  }
0x14b: {  	s29 =	sadd.s32 s28, s29  }
0x14c: {  	v3 =	vld [tilespmem:s29+$0x0];
	_ =	sdelay $0x4  }
0x14d: {  	v4 =	vsub.s32 v3, v0  }
0x14e: {  	v5 =	vmov s16;
	v3 =	vshll.u32 v3, $0x7;
	v6 =	vshll.u32 v4, $0xA  }
0x14f: {  	v5 =	vshll.u32 v5, $0x3;
	v3 =	vand.u32 $0x380, v3;
	v6 =	vand.u32 $0xFFFFE000, v6  }
0x150: {  	v7 =	vor.u32 s16, v1;
	v5 =	vand.u32 $0x1C00, v5;
	v3 =	vor.u32 v6, v3  }
0x151: {  	v61 =	vand.u32 $0x7F, v7;
	vm0 =	vlt.u32 v4, $0x28;
	v3 =	vor.u32 v5, v3  }
0x152: {  	v3 =	vor.u32 v61, v3;
	_ =	sdelay $0x3  }
0x153: {  	s21 =	sadd.s32 s21, s22  }
0x154: {  	s21 =	sadd.s32 s28, s21;
	[tilespmem:v3+s4+$0x0] =	vst.idx.msk vm0, v2  }
0x155: {  	v3 =	vld [tilespmem:s21+$0x0];
	_ =	sdelay $0x4  }
0x156: {  	v62 =	vsub.s32 v3, v0  }
0x157: {  	vm15 =	vlt.u32 v62, $0x28;
	_ =	sdelay $0x1  }
0x158: {  	v63 =	vshll.u32 v3, $0x7;
	v6 =	vshll.u32 v62, $0xA  }
0x159: {  	v7 =	vand.u32 $0x380, v63;
	v6 =	vand.u32 $0xFFFFE000, v6  }
0x15a: {  	v6 =	vor.u32 v6, v7  }
0x15b: {  	v5 =	vor.u32 v5, v6  }
0x15c: {  	p4 =	sne.s32 s16, $0x3F0;
	v4 =	vor.u32 v61, v5;
	v3 =	vld.idx.msk [tilespmem:v3+s31+$0x0], vm15  }
.Ltmp15:
0x15d: {  	_ = 	snop;
	(pc) =	sbr.rel @p4 .LBB2_38-.Ltmp15, $2  }
0x15e: {  	_ =	sdelay $0x2  }
0x15f: {  	s16 =	sadd.s32 $0x10, s16;
	[tilespmem:v4+s4+$0x0] =	vst.idx.msk vm15, v3  }
0x160: {  	s15 =	sadd.s32 s7, s17;
	s14 =	sadd.s32 $0x1, s14  }
0x161: {  	s15 =	smul.u32 $0x28000, s15;
	p4 =	sne.s32 s14, $0xC  }
.Ltmp16:
0x162: {  	_ = 	snop;
	(pc) =	sbr.rel @p4 .LBB2_35-.Ltmp16, $4  }
0x163: {  	s15 =	sadd.s32 s8, s15  }
0x164: {  	s15 =	sshrl.u32 s15, $0x3  }
0x165: {  	s15 =	sadd.s32 s3, s15  }
0x166: {  	[hbm4b:s15+s6] =	stream.linear.scatter [tilespmem:s4], [sflag:$0x2], $0xA000, $0x38;
	[tilespmem:$0x1A500] =	vst v63  }
0x167: {  	_ =	swait.ge [sflag:s11], $0xA000  }
0x168: {  	[sflag:s11] =	ssyncset.done $0x0  }
0x169: {  	s14 =	simm.s32 $0x0;
	[sflag:s11] =	ssyncadd.s32 $0xFFFF6000  }
.LBB2_41:
0x16a: {  	s15 =	sand.u32 $0x3F0, s14  }
0x16b: {  	v3 =	vld [tilespmem:s15+$0x5800];
	_ =	sdelay $0x4  }
0x16c: {  	v4 =	vsub.s32 v3, v0  }
0x16d: {  	v5 =	vmov s14;
	v3 =	vshll.u32 v3, $0x7;
	v6 =	vshll.u32 v4, $0xA  }
0x16e: {  	v5 =	vshll.u32 v5, $0x3;
	v3 =	vand.u32 $0x380, v3;
	v6 =	vand.u32 $0xFFFFE000, v6  }
0x16f: {  	v7 =	vor.u32 s14, v1;
	v5 =	vand.u32 $0x1C00, v5;
	v3 =	vor.u32 v6, v3  }
0x170: {  	v61 =	vand.u32 $0x7F, v7;
	vm0 =	vlt.u32 v4, $0x28;
	v3 =	vor.u32 v5, v3  }
0x171: {  	v3 =	vor.u32 v61, v3;
	_ =	sdelay $0x4  }
0x172: {  	[tilespmem:v3+s0+$0x0] =	vst.idx.msk vm0, v2  }
0x173: {  	v3 =	vld [tilespmem:s15+$0x6000];
	_ =	sdelay $0x4  }
0x174: {  	v62 =	vsub.s32 v3, v0  }
0x175: {  	vm15 =	vlt.u32 v62, $0x28;
	_ =	sdelay $0x1  }
0x176: {  	v63 =	vshll.u32 v3, $0x7;
	v6 =	vshll.u32 v62, $0xA  }
0x177: {  	v7 =	vand.u32 $0x380, v63;
	v6 =	vand.u32 $0xFFFFE000, v6  }
0x178: {  	v6 =	vor.u32 v6, v7  }
0x179: {  	v5 =	vor.u32 v5, v6  }
0x17a: {  	p4 =	sne.s32 s14, $0x3F0;
	v4 =	vor.u32 v61, v5;
	v3 =	vld.idx.msk [tilespmem:v3+s31+$0x0], vm15  }
.Ltmp17:
0x17b: {  	_ = 	snop;
	(pc) =	sbr.rel @p4 .LBB2_41-.Ltmp17, $2  }
0x17c: {  	_ =	sdelay $0x2  }
0x17d: {  	s14 =	sadd.s32 $0x10, s14;
	[tilespmem:v4+s0+$0x0] =	vst.idx.msk vm15, v3  }
0x17e: {  	s14 =	rddreg [dreg:$0xe]  }
0x17f: {  	[hbm4b:s14+s6] =	stream.linear.scatter [tilespmem:s0], [sflag:$0x1], $0xA000, $0x38;
	[tilespmem:$0x1A500] =	vst v63  }
0x180: {  	_ =	swait.ge [sflag:s12], $0xA000  }
.Ltmp18:
0x181: {  	[sflag:s12] =	ssyncset.done $0x0;
	(pc) =	sbr.rel @p3 .LBB2_57-.Ltmp18, $4  }
0x182: {  	[sflag:s12] =	ssyncadd.s32 $0xFFFF6000  }
0x183: {  	_ =	swait.ge [sflag:s11], $0xA000  }
0x184: {  	[sflag:s11] =	ssyncset.done $0x0  }
0x185: {  	[sflag:s11] =	ssyncadd.s32 $0xFFFF6000  }
.LBB2_43:
0x186: {  	s14 =	simm.s32 $0x0  }
0x187: {  	[tilespmem:s14], [sflag:$0x3] =	stream.linear.gather [hbm4b:s18+s14], $0x6400, $0x38;
	[tilespmem:$0x1A500] =	vst v63  }
0x188: {  	_ =	swait.ge [sflag:s30], $0x6400  }
0x189: {  	[sflag:s30] =	ssyncset.done $0x0  }
0x18a: {  	[sflag:s30] =	ssyncadd.s32 $0xFFFF9C00  }
0x18b: {  	[tilespmem:s31], [sflag:$0x3] =	stream.linear.gather [hbm4b:s9+s14], $0x100, $0x38;
	[tilespmem:$0x1A500] =	vst v63  }
0x18c: {  	_ =	swait.ge [sflag:s30], $0x100  }
0x18d: {  	[sflag:s30] =	ssyncset.done $0x0  }
0x18e: {  	[sflag:s30] =	ssyncadd.s32 $0xFFFFFF00  }
0x18f: {  	[tilespmem:s0], [sflag:$0x3] =	stream.linear.gather [hbm4b:s10+s14], $0xA000, $0x38;
	[tilespmem:$0x1A500] =	vst v63  }
0x190: {  	_ =	swait.ge [sflag:s30], $0xA000  }
0x191: {  	[sflag:s30] =	ssyncset.done $0x0  }
0x192: {  	[sflag:s30] =	ssyncadd.s32 $0xFFFF6000  }
0x193: {  	[tilespmem:s4], [sflag:$0x3] =	stream.linear.gather [hbm4b:s10+s14], $0xA000, $0x38;
	[tilespmem:$0x1A500] =	vst v63  }
0x194: {  	_ =	swait.ge [sflag:s30], $0xA000  }
0x195: {  	[sflag:s30] =	ssyncset.done $0x0  }
0x196: {  	[sflag:s30] =	ssyncadd.s32 $0xFFFF6000  }
0x197: {  	v4 =	vld [tilespmem:s14+$0x0];
	_ =	sdelay $0x4  }
0x198: {  	v3 =	vsub.s32 v4, v0  }
0x199: {  	vm0 =	vlt.u32 v3, $0x28  }
0x19a: {  	v5 =	vmov s14  }
0x19b: {  	v6 =	vor.u32 s14, v1;
	v5 =	vshll.u32 v5, $0x3  }
0x19c: {  	v6 =	vand.u32 $0x7F, v6;
	v5 =	vand.u32 $0x1C00, v5;
	v7 =	vshll.u32 v4, $0x7  }
0x19d: {  	v5 =	vor.u32 v5, v6;
	v3 =	vshll.u32 v3, $0xA;
	v7 =	vand.u32 $0x380, v7  }
0x19e: {  	v3 =	vand.u32 $0xFFFFE000, v3;
	v5 =	vor.u32 v7, v5  }
0x19f: {  	s15 =	simm.s32 $0x10;
	v3 =	vor.u32 v3, v5;
	v4 =	vld.idx.msk [tilespmem:v4+s31+$0x0], vm0  }
.LBB2_44:
0x1a0: {  	_ =	sdelay $0x2  }
0x1a1: {  	p4 =	sne.s32 s15, $0x3F0  }
0x1a2: {  	s14 =	sadd.s32 $0x10, s14;
	s16 =	smov.u32 s15;
	s15 =	sadd.s32 $0x10, s15;
	[tilespmem:v3+s0+$0x0] =	vst.idx.msk vm0, v4  }
0x1a3: {  	v4 =	vld [tilespmem:s14+$0x0];
	_ =	sdelay $0x2  }
0x1a4: {  	v3 =	vmov s16  }
0x1a5: {  	v5 =	vor.u32 s16, v1;
	v3 =	vshll.u32 v3, $0x3  }
0x1a6: {  	v3 =	vand.u32 $0x1C00, v3;
	v6 =	vsub.s32 v4, v0;
	v7 =	vshll.u32 v4, $0x7  }
0x1a7: {  	v5 =	vand.u32 $0x7F, v5;
	vm0 =	vlt.u32 v6, $0x28;
	v6 =	vshll.u32 v6, $0xA  }
0x1a8: {  	v3 =	vor.u32 v3, v5;
	v7 =	vand.u32 $0x380, v7;
	v6 =	vand.u32 $0xFFFFE000, v6  }
.Ltmp19:
0x1a9: {  	v3 =	vor.u32 v7, v3;
	(pc) =	sbr.rel @p4 .LBB2_44-.Ltmp19, $2  }
0x1aa: {  	v3 =	vor.u32 v6, v3;
	_ =	sdelay $0x2  }
0x1ab: {  	v4 =	vld.idx.msk [tilespmem:v4+s31+$0x0], vm0  }
0x1ac: {  	_ =	sdelay $0x3  }
0x1ad: {  	s14 =	simm.s32 $0x0  }
0x1ae: {  	s15 =	sand.u32 $0x3F0, s14;
	[tilespmem:v3+s0+$0x0] =	vst.idx.msk vm0, v4  }
0x1af: {  	[hbm4b:s19+s14] =	stream.linear.scatter [tilespmem:s0], [sflag:$0x1], $0xA000, $0x38;
	[tilespmem:$0x1A500] =	vst v63  }
0x1b0: {  	v4 =	vld [tilespmem:s15+$0x400];
	_ =	sdelay $0x4  }
0x1b1: {  	v3 =	vsub.s32 v4, v0  }
0x1b2: {  	vm0 =	vlt.u32 v3, $0x28  }
0x1b3: {  	v5 =	vmov s14  }
0x1b4: {  	v6 =	vor.u32 s14, v1;
	v5 =	vshll.u32 v5, $0x3  }
0x1b5: {  	v6 =	vand.u32 $0x7F, v6;
	v5 =	vand.u32 $0x1C00, v5;
	v7 =	vshll.u32 v4, $0x7  }
0x1b6: {  	v5 =	vor.u32 v5, v6;
	v3 =	vshll.u32 v3, $0xA;
	v7 =	vand.u32 $0x380, v7  }
0x1b7: {  	v3 =	vand.u32 $0xFFFFE000, v3;
	v5 =	vor.u32 v7, v5  }
0x1b8: {  	s14 =	simm.s32 $0x10;
	s15 =	simm.s32 $0x20;
	v3 =	vor.u32 v3, v5;
	v4 =	vld.idx.msk [tilespmem:v4+s31+$0x0], vm0  }
.LBB2_46:
0x1b9: {  	_ =	sdelay $0x2  }
0x1ba: {  	p4 =	sne.s32 s15, $0x3F0  }
0x1bb: {  	s16 =	sand.u32 $0x3F0, s14;
	s17 =	smov.u32 s15;
	s15 =	sadd.s32 $0x10, s15;
	[tilespmem:v3+s4+$0x0] =	vst.idx.msk vm0, v4  }
0x1bc: {  	v4 =	vld [tilespmem:s16+$0x400];
	_ =	sdelay $0x2  }
0x1bd: {  	v3 =	vmov s14  }
0x1be: {  	v5 =	vor.u32 s14, v1;
	s14 =	smov.u32 s17;
	v3 =	vshll.u32 v3, $0x3  }
0x1bf: {  	v3 =	vand.u32 $0x1C00, v3;
	v6 =	vsub.s32 v4, v0;
	v7 =	vshll.u32 v4, $0x7  }
0x1c0: {  	v5 =	vand.u32 $0x7F, v5;
	vm0 =	vlt.u32 v6, $0x28;
	v6 =	vshll.u32 v6, $0xA  }
0x1c1: {  	v3 =	vor.u32 v3, v5;
	v7 =	vand.u32 $0x380, v7;
	v6 =	vand.u32 $0xFFFFE000, v6  }
.Ltmp20:
0x1c2: {  	v3 =	vor.u32 v7, v3;
	(pc) =	sbr.rel @p4 .LBB2_46-.Ltmp20, $2  }
0x1c3: {  	v3 =	vor.u32 v6, v3;
	_ =	sdelay $0x2  }
0x1c4: {  	v4 =	vld.idx.msk [tilespmem:v4+s31+$0x0], vm0  }
0x1c5: {  	_ =	sdelay $0x4  }
0x1c6: {  	s15 =	sand.u32 $0x3F0, s14;
	[tilespmem:v3+s4+$0x0] =	vst.idx.msk vm0, v4  }
0x1c7: {  	v3 =	vld [tilespmem:s15+$0x400];
	_ =	sdelay $0x4  }
0x1c8: {  	v63 =	vsub.s32 v3, v0  }
0x1c9: {  	vm15 =	vlt.u32 v63, $0x28  }
0x1ca: {  	v5 =	vmov s14  }
0x1cb: {  	v6 =	vor.u32 s14, v1;
	v5 =	vshll.u32 v5, $0x3  }
0x1cc: {  	v6 =	vand.u32 $0x7F, v6;
	v5 =	vand.u32 $0x1C00, v5;
	v7 =	vshll.u32 v3, $0x7  }
0x1cd: {  	v5 =	vor.u32 v5, v6;
	v4 =	vshll.u32 v63, $0xA;
	v7 =	vand.u32 $0x380, v7  }
0x1ce: {  	v4 =	vand.u32 $0xFFFFE000, v4;
	v5 =	vor.u32 v7, v5  }
0x1cf: {  	v4 =	vor.u32 v4, v5;
	v3 =	vld.idx.msk [tilespmem:v3+s31+$0x0], vm15;
	_ =	sdelay $0x4  }
0x1d0: {  	s14 =	simm.s32 $0x1;
	[tilespmem:v4+s4+$0x0] =	vst.idx.msk vm15, v3  }
0x1d1: {  	[hbm4b:s20+s6] =	stream.linear.scatter [tilespmem:s4], [sflag:$0x2], $0xA000, $0x38;
	[tilespmem:$0x1A500] =	vst v63  }
.LBB2_48:
0x1d2: {  	_ =	swait.ge [sflag:s11], $0xA000;
	s15 =	sshll.u32 s14, $0xB  }
0x1d3: {  	[sflag:s11] =	ssyncset.done $0x0;
	s15 =	sand.u32 $0x3FFFF800, s15  }
0x1d4: {  	s17 =	simm.s32 $0x0;
	[sflag:s11] =	ssyncadd.s32 $0xFFFF6000;
	s16 =	sadd.s32 $0xFFFFF800, s15  }
.LBB2_49:
0x1d5: {  	s21 =	sand.u32 $0x380, s17  }
0x1d6: {  	s22 =	sand.u32 $0x70, s17;
	s28 =	sadd.s32 s21, s16  }
0x1d7: {  	s28 =	sadd.s32 s22, s28  }
0x1d8: {  	v3 =	vld [tilespmem:s28+$0x0];
	_ =	sdelay $0x4  }
0x1d9: {  	v4 =	vsub.s32 v3, v0  }
0x1da: {  	v5 =	vmov s17;
	v3 =	vshll.u32 v3, $0x7;
	v6 =	vshll.u32 v4, $0xA  }
0x1db: {  	v5 =	vshll.u32 v5, $0x3;
	v3 =	vand.u32 $0x380, v3;
	v6 =	vand.u32 $0xFFFFE000, v6  }
0x1dc: {  	v7 =	vor.u32 s17, v1;
	v5 =	vand.u32 $0x1C00, v5;
	v3 =	vor.u32 v6, v3  }
0x1dd: {  	v61 =	vand.u32 $0x7F, v7;
	vm0 =	vlt.u32 v4, $0x28;
	v3 =	vor.u32 v5, v3  }
0x1de: {  	v3 =	vor.u32 v61, v3;
	_ =	sdelay $0x3  }
0x1df: {  	s21 =	sadd.s32 s21, s15  }
0x1e0: {  	s21 =	sadd.s32 s22, s21;
	[tilespmem:v3+s0+$0x0] =	vst.idx.msk vm0, v2  }
0x1e1: {  	v3 =	vld [tilespmem:s21+$0x0];
	_ =	sdelay $0x4  }
0x1e2: {  	v62 =	vsub.s32 v3, v0  }
0x1e3: {  	vm15 =	vlt.u32 v62, $0x28;
	_ =	sdelay $0x1  }
0x1e4: {  	v63 =	vshll.u32 v3, $0x7;
	v6 =	vshll.u32 v62, $0xA  }
0x1e5: {  	v7 =	vand.u32 $0x380, v63;
	v6 =	vand.u32 $0xFFFFE000, v6  }
0x1e6: {  	v6 =	vor.u32 v6, v7  }
0x1e7: {  	v5 =	vor.u32 v5, v6  }
0x1e8: {  	p4 =	sne.s32 s17, $0x3F0;
	v4 =	vor.u32 v61, v5;
	v3 =	vld.idx.msk [tilespmem:v3+s31+$0x0], vm15  }
.Ltmp21:
0x1e9: {  	_ = 	snop;
	(pc) =	sbr.rel @p4 .LBB2_49-.Ltmp21, $2  }
0x1ea: {  	_ =	sdelay $0x2  }
0x1eb: {  	s17 =	sadd.s32 $0x10, s17;
	[tilespmem:v4+s0+$0x0] =	vst.idx.msk vm15, v3  }
0x1ec: {  	s16 =	sshll.u32 s14, $0x1  }
0x1ed: {  	s16 =	sadd.s32 s7, s16  }
0x1ee: {  	s16 =	smul.u32 $0x28000, s16;
	_ =	sdelay $0x1  }
0x1ef: {  	s16 =	sadd.s32 s8, s16  }
0x1f0: {  	s16 =	sshrl.u32 s16, $0x3  }
0x1f1: {  	s17 =	sadd.s32 s5, s16;
	s16 =	simm.s32 $0x0  }
0x1f2: {  	[hbm4b:s17+s16] =	stream.linear.scatter [tilespmem:s0], [sflag:$0x1], $0xA000, $0x38;
	[tilespmem:$0x1A500] =	vst v63  }
0x1f3: {  	s17 =	sshllo.u32 s14, $0x1;
	_ =	swait.ge [sflag:s12], $0xA000  }
0x1f4: {  	s21 =	sshll.u32 s17, $0xA;
	[sflag:s12] =	ssyncset.done $0x0  }
0x1f5: {  	s15 =	sadd.s32 $0xFFFFFC00, s15;
	s22 =	sand.u32 $0x3FFFFC00, s21;
	[sflag:s12] =	ssyncadd.s32 $0xFFFF6000  }
.LBB2_51:
0x1f6: {  	s21 =	sand.u32 $0x380, s16  }
0x1f7: {  	s28 =	sand.u32 $0x70, s16;
	s29 =	sadd.s32 s21, s15  }
0x1f8: {  	s29 =	sadd.s32 s28, s29  }
0x1f9: {  	v3 =	vld [tilespmem:s29+$0x0];
	_ =	sdelay $0x4  }
0x1fa: {  	v4 =	vsub.s32 v3, v0  }
0x1fb: {  	v5 =	vmov s16;
	v3 =	vshll.u32 v3, $0x7;
	v6 =	vshll.u32 v4, $0xA  }
0x1fc: {  	v5 =	vshll.u32 v5, $0x3;
	v3 =	vand.u32 $0x380, v3;
	v6 =	vand.u32 $0xFFFFE000, v6  }
0x1fd: {  	v7 =	vor.u32 s16, v1;
	v5 =	vand.u32 $0x1C00, v5;
	v3 =	vor.u32 v6, v3  }
0x1fe: {  	v61 =	vand.u32 $0x7F, v7;
	vm0 =	vlt.u32 v4, $0x28;
	v3 =	vor.u32 v5, v3  }
0x1ff: {  	v3 =	vor.u32 v61, v3;
	_ =	sdelay $0x3  }
0x200: {  	s21 =	sadd.s32 s21, s22  }
0x201: {  	s21 =	sadd.s32 s28, s21;
	[tilespmem:v3+s4+$0x0] =	vst.idx.msk vm0, v2  }
0x202: {  	v3 =	vld [tilespmem:s21+$0x0];
	_ =	sdelay $0x4  }
0x203: {  	v62 =	vsub.s32 v3, v0  }
0x204: {  	vm15 =	vlt.u32 v62, $0x28;
	_ =	sdelay $0x1  }
0x205: {  	v63 =	vshll.u32 v3, $0x7;
	v6 =	vshll.u32 v62, $0xA  }
0x206: {  	v7 =	vand.u32 $0x380, v63;
	v6 =	vand.u32 $0xFFFFE000, v6  }
0x207: {  	v6 =	vor.u32 v6, v7  }
0x208: {  	v5 =	vor.u32 v5, v6  }
0x209: {  	p4 =	sne.s32 s16, $0x3F0;
	v4 =	vor.u32 v61, v5;
	v3 =	vld.idx.msk [tilespmem:v3+s31+$0x0], vm15  }
.Ltmp22:
0x20a: {  	_ = 	snop;
	(pc) =	sbr.rel @p4 .LBB2_51-.Ltmp22, $2  }
0x20b: {  	_ =	sdelay $0x2  }
0x20c: {  	s16 =	sadd.s32 $0x10, s16;
	[tilespmem:v4+s4+$0x0] =	vst.idx.msk vm15, v3  }
0x20d: {  	s15 =	sadd.s32 s7, s17;
	s14 =	sadd.s32 $0x1, s14  }
0x20e: {  	s15 =	smul.u32 $0x28000, s15;
	p4 =	sne.s32 s14, $0xC  }
.Ltmp23:
0x20f: {  	_ = 	snop;
	(pc) =	sbr.rel @p4 .LBB2_48-.Ltmp23, $4  }
0x210: {  	s15 =	sadd.s32 s8, s15  }
0x211: {  	s15 =	sshrl.u32 s15, $0x3  }
0x212: {  	s15 =	sadd.s32 s5, s15  }
0x213: {  	[hbm4b:s15+s6] =	stream.linear.scatter [tilespmem:s4], [sflag:$0x2], $0xA000, $0x38;
	[tilespmem:$0x1A500] =	vst v63  }
0x214: {  	_ =	swait.ge [sflag:s11], $0xA000  }
0x215: {  	[sflag:s11] =	ssyncset.done $0x0  }
0x216: {  	s14 =	simm.s32 $0x0;
	[sflag:s11] =	ssyncadd.s32 $0xFFFF6000  }
.LBB2_54:
0x217: {  	s15 =	sand.u32 $0x3F0, s14  }
0x218: {  	v3 =	vld [tilespmem:s15+$0x5800];
	_ =	sdelay $0x4  }
0x219: {  	v4 =	vsub.s32 v3, v0  }
0x21a: {  	v5 =	vmov s14;
	v3 =	vshll.u32 v3, $0x7;
	v6 =	vshll.u32 v4, $0xA  }
0x21b: {  	v5 =	vshll.u32 v5, $0x3;
	v3 =	vand.u32 $0x380, v3;
	v6 =	vand.u32 $0xFFFFE000, v6  }
0x21c: {  	v7 =	vor.u32 s14, v1;
	v5 =	vand.u32 $0x1C00, v5;
	v3 =	vor.u32 v6, v3  }
0x21d: {  	v61 =	vand.u32 $0x7F, v7;
	vm0 =	vlt.u32 v4, $0x28;
	v3 =	vor.u32 v5, v3  }
0x21e: {  	v3 =	vor.u32 v61, v3;
	_ =	sdelay $0x4  }
0x21f: {  	[tilespmem:v3+s0+$0x0] =	vst.idx.msk vm0, v2  }
0x220: {  	v3 =	vld [tilespmem:s15+$0x6000];
	_ =	sdelay $0x4  }
0x221: {  	v62 =	vsub.s32 v3, v0  }
0x222: {  	vm15 =	vlt.u32 v62, $0x28;
	_ =	sdelay $0x1  }
0x223: {  	v63 =	vshll.u32 v3, $0x7;
	v6 =	vshll.u32 v62, $0xA  }
0x224: {  	v7 =	vand.u32 $0x380, v63;
	v6 =	vand.u32 $0xFFFFE000, v6  }
0x225: {  	v6 =	vor.u32 v6, v7  }
0x226: {  	v5 =	vor.u32 v5, v6  }
0x227: {  	p4 =	seq.s32 s14, $0x3F0;
	v4 =	vor.u32 v61, v5;
	v3 =	vld.idx.msk [tilespmem:v3+s31+$0x0], vm15  }
.Ltmp24:
0x228: {  	_ = 	snop;
	(pc) =	sbr.rel @!p4 .LBB2_54-.Ltmp24, $2  }
0x229: {  	_ =	sdelay $0x2  }
0x22a: {  	s14 =	sadd.s32 $0x10, s14;
	[tilespmem:v4+s0+$0x0] =	vst.idx.msk vm15, v3  }
.Ltmp25:
0x22b: {  	(pc) =	sbr.rel .LBB2_56-.Ltmp25, $2  }
0x22c: {  	_ =	sdelay $0x2  }
0x22d: {  	s14 =	smov.u32 s23  }
.LBB2_16:
0x22e: {  	s15 =	rddreg [dreg:$0x6]  }
0x22f: {  	[tilespmem:s14], [sflag:$0x3] =	stream.linear.gather [hbm4b:s15+s14], $0x6400, $0x38;
	[tilespmem:$0x1A500] =	vst v63  }
0x230: {  	_ =	swait.ge [sflag:s30], $0x6400  }
0x231: {  	[sflag:s30] =	ssyncset.done $0x0  }
0x232: {  	[sflag:s30] =	ssyncadd.s32 $0xFFFF9C00  }
0x233: {  	[tilespmem:s31], [sflag:$0x3] =	stream.linear.gather [hbm4b:s9+s14], $0x100, $0x38;
	[tilespmem:$0x1A500] =	vst v63  }
0x234: {  	_ =	swait.ge [sflag:s30], $0x100  }
0x235: {  	[sflag:s30] =	ssyncset.done $0x0  }
0x236: {  	[sflag:s30] =	ssyncadd.s32 $0xFFFFFF00  }
0x237: {  	[tilespmem:s0], [sflag:$0x3] =	stream.linear.gather [hbm4b:s10+s14], $0xA000, $0x38;
	[tilespmem:$0x1A500] =	vst v63  }
0x238: {  	_ =	swait.ge [sflag:s30], $0xA000  }
0x239: {  	[sflag:s30] =	ssyncset.done $0x0  }
0x23a: {  	[sflag:s30] =	ssyncadd.s32 $0xFFFF6000  }
0x23b: {  	[tilespmem:s4], [sflag:$0x3] =	stream.linear.gather [hbm4b:s10+s14], $0xA000, $0x38;
	[tilespmem:$0x1A500] =	vst v63  }
0x23c: {  	_ =	swait.ge [sflag:s30], $0xA000  }
0x23d: {  	[sflag:s30] =	ssyncset.done $0x0  }
0x23e: {  	[sflag:s30] =	ssyncadd.s32 $0xFFFF6000  }
0x23f: {  	v4 =	vld [tilespmem:s14+$0x0];
	_ =	sdelay $0x4  }
0x240: {  	v3 =	vsub.s32 v4, v0  }
0x241: {  	vm0 =	vlt.u32 v3, $0x28  }
0x242: {  	v5 =	vmov s14  }
0x243: {  	v6 =	vor.u32 s14, v1;
	v5 =	vshll.u32 v5, $0x3  }
0x244: {  	v6 =	vand.u32 $0x7F, v6;
	v5 =	vand.u32 $0x1C00, v5;
	v7 =	vshll.u32 v4, $0x7  }
0x245: {  	v5 =	vor.u32 v5, v6;
	v3 =	vshll.u32 v3, $0xA;
	v7 =	vand.u32 $0x380, v7  }
0x246: {  	v3 =	vand.u32 $0xFFFFE000, v3;
	v5 =	vor.u32 v7, v5  }
0x247: {  	s15 =	simm.s32 $0x10;
	v3 =	vor.u32 v3, v5;
	v4 =	vld.idx.msk [tilespmem:v4+s31+$0x0], vm0  }
.LBB2_17:
0x248: {  	_ =	sdelay $0x2  }
0x249: {  	p4 =	sne.s32 s15, $0x3F0  }
0x24a: {  	s14 =	sadd.s32 $0x10, s14;
	s16 =	smov.u32 s15;
	s15 =	sadd.s32 $0x10, s15;
	[tilespmem:v3+s0+$0x0] =	vst.idx.msk vm0, v4  }
0x24b: {  	v4 =	vld [tilespmem:s14+$0x0];
	_ =	sdelay $0x2  }
0x24c: {  	v3 =	vmov s16  }
0x24d: {  	v5 =	vor.u32 s16, v1;
	v3 =	vshll.u32 v3, $0x3  }
0x24e: {  	v3 =	vand.u32 $0x1C00, v3;
	v6 =	vsub.s32 v4, v0;
	v7 =	vshll.u32 v4, $0x7  }
0x24f: {  	v5 =	vand.u32 $0x7F, v5;
	vm0 =	vlt.u32 v6, $0x28;
	v6 =	vshll.u32 v6, $0xA  }
0x250: {  	v3 =	vor.u32 v3, v5;
	v7 =	vand.u32 $0x380, v7;
	v6 =	vand.u32 $0xFFFFE000, v6  }
.Ltmp26:
0x251: {  	v3 =	vor.u32 v7, v3;
	(pc) =	sbr.rel @p4 .LBB2_17-.Ltmp26, $2  }
0x252: {  	v3 =	vor.u32 v6, v3;
	_ =	sdelay $0x2  }
0x253: {  	v4 =	vld.idx.msk [tilespmem:v4+s31+$0x0], vm0  }
0x254: {  	_ =	sdelay $0x3  }
0x255: {  	s14 =	simm.s32 $0x0  }
0x256: {  	s15 =	rddreg [dreg:$0x7];
	s29 =	sand.u32 $0x3F0, s14;
	[tilespmem:v3+s0+$0x0] =	vst.idx.msk vm0, v4  }
0x257: {  	[hbm4b:s15+s14] =	stream.linear.scatter [tilespmem:s0], [sflag:$0x1], $0xA000, $0x38;
	[tilespmem:$0x1A500] =	vst v63  }
0x258: {  	v4 =	vld [tilespmem:s29+$0x400];
	_ =	sdelay $0x4  }
0x259: {  	v3 =	vsub.s32 v4, v0  }
0x25a: {  	vm0 =	vlt.u32 v3, $0x28  }
0x25b: {  	v5 =	vmov s14  }
0x25c: {  	v6 =	vor.u32 s14, v1;
	v5 =	vshll.u32 v5, $0x3  }
0x25d: {  	v6 =	vand.u32 $0x7F, v6;
	v5 =	vand.u32 $0x1C00, v5;
	v7 =	vshll.u32 v4, $0x7  }
0x25e: {  	v5 =	vor.u32 v5, v6;
	v3 =	vshll.u32 v3, $0xA;
	v7 =	vand.u32 $0x380, v7  }
0x25f: {  	v3 =	vand.u32 $0xFFFFE000, v3;
	v5 =	vor.u32 v7, v5  }
0x260: {  	s14 =	simm.s32 $0x10;
	s15 =	simm.s32 $0x20;
	v3 =	vor.u32 v3, v5;
	v4 =	vld.idx.msk [tilespmem:v4+s31+$0x0], vm0  }
.LBB2_19:
0x261: {  	_ =	sdelay $0x2  }
0x262: {  	p4 =	sne.s32 s15, $0x3F0  }
0x263: {  	s16 =	sand.u32 $0x3F0, s14;
	s17 =	smov.u32 s15;
	s15 =	sadd.s32 $0x10, s15;
	[tilespmem:v3+s4+$0x0] =	vst.idx.msk vm0, v4  }
0x264: {  	v4 =	vld [tilespmem:s16+$0x400];
	_ =	sdelay $0x2  }
0x265: {  	v3 =	vmov s14  }
0x266: {  	v5 =	vor.u32 s14, v1;
	s14 =	smov.u32 s17;
	v3 =	vshll.u32 v3, $0x3  }
0x267: {  	v3 =	vand.u32 $0x1C00, v3;
	v6 =	vsub.s32 v4, v0;
	v7 =	vshll.u32 v4, $0x7  }
0x268: {  	v5 =	vand.u32 $0x7F, v5;
	vm0 =	vlt.u32 v6, $0x28;
	v6 =	vshll.u32 v6, $0xA  }
0x269: {  	v3 =	vor.u32 v3, v5;
	v7 =	vand.u32 $0x380, v7;
	v6 =	vand.u32 $0xFFFFE000, v6  }
.Ltmp27:
0x26a: {  	v3 =	vor.u32 v7, v3;
	(pc) =	sbr.rel @p4 .LBB2_19-.Ltmp27, $2  }
0x26b: {  	v3 =	vor.u32 v6, v3;
	_ =	sdelay $0x2  }
0x26c: {  	v4 =	vld.idx.msk [tilespmem:v4+s31+$0x0], vm0  }
0x26d: {  	_ =	sdelay $0x4  }
0x26e: {  	s15 =	sand.u32 $0x3F0, s14;
	[tilespmem:v3+s4+$0x0] =	vst.idx.msk vm0, v4  }
0x26f: {  	v3 =	vld [tilespmem:s15+$0x400];
	_ =	sdelay $0x4  }
0x270: {  	v63 =	vsub.s32 v3, v0  }
0x271: {  	vm15 =	vlt.u32 v63, $0x28  }
0x272: {  	v5 =	vmov s14  }
0x273: {  	v6 =	vor.u32 s14, v1;
	v5 =	vshll.u32 v5, $0x3  }
0x274: {  	v6 =	vand.u32 $0x7F, v6;
	v5 =	vand.u32 $0x1C00, v5;
	v7 =	vshll.u32 v3, $0x7  }
0x275: {  	v5 =	vor.u32 v5, v6;
	v4 =	vshll.u32 v63, $0xA;
	v7 =	vand.u32 $0x380, v7  }
0x276: {  	v4 =	vand.u32 $0xFFFFE000, v4;
	v5 =	vor.u32 v7, v5  }
0x277: {  	v4 =	vor.u32 v4, v5;
	v3 =	vld.idx.msk [tilespmem:v3+s31+$0x0], vm15;
	_ =	sdelay $0x4  }
0x278: {  	s29 =	rddreg [dreg:$0x8];
	s14 =	simm.s32 $0x1;
	[tilespmem:v4+s4+$0x0] =	vst.idx.msk vm15, v3  }
0x279: {  	[hbm4b:s29+s6] =	stream.linear.scatter [tilespmem:s4], [sflag:$0x2], $0xA000, $0x38;
	[tilespmem:$0x1A500] =	vst v63  }
.LBB2_21:
0x27a: {  	_ =	swait.ge [sflag:s11], $0xA000;
	s15 =	sshll.u32 s14, $0xB  }
0x27b: {  	[sflag:s11] =	ssyncset.done $0x0;
	s15 =	sand.u32 $0x3FFFF800, s15  }
0x27c: {  	s17 =	simm.s32 $0x0;
	[sflag:s11] =	ssyncadd.s32 $0xFFFF6000;
	s16 =	sadd.s32 $0xFFFFF800, s15  }
.LBB2_22:
0x27d: {  	s21 =	sand.u32 $0x380, s17  }
0x27e: {  	s22 =	sand.u32 $0x70, s17;
	s28 =	sadd.s32 s21, s16  }
0x27f: {  	s28 =	sadd.s32 s22, s28  }
0x280: {  	v3 =	vld [tilespmem:s28+$0x0];
	_ =	sdelay $0x4  }
0x281: {  	v4 =	vsub.s32 v3, v0  }
0x282: {  	v5 =	vmov s17;
	v3 =	vshll.u32 v3, $0x7;
	v6 =	vshll.u32 v4, $0xA  }
0x283: {  	v5 =	vshll.u32 v5, $0x3;
	v3 =	vand.u32 $0x380, v3;
	v6 =	vand.u32 $0xFFFFE000, v6  }
0x284: {  	v7 =	vor.u32 s17, v1;
	v5 =	vand.u32 $0x1C00, v5;
	v3 =	vor.u32 v6, v3  }
0x285: {  	v61 =	vand.u32 $0x7F, v7;
	vm0 =	vlt.u32 v4, $0x28;
	v3 =	vor.u32 v5, v3  }
0x286: {  	v3 =	vor.u32 v61, v3;
	_ =	sdelay $0x3  }
0x287: {  	s21 =	sadd.s32 s21, s15  }
0x288: {  	s21 =	sadd.s32 s22, s21;
	[tilespmem:v3+s0+$0x0] =	vst.idx.msk vm0, v2  }
0x289: {  	v3 =	vld [tilespmem:s21+$0x0];
	_ =	sdelay $0x4  }
0x28a: {  	v62 =	vsub.s32 v3, v0  }
0x28b: {  	vm15 =	vlt.u32 v62, $0x28;
	_ =	sdelay $0x1  }
0x28c: {  	v63 =	vshll.u32 v3, $0x7;
	v6 =	vshll.u32 v62, $0xA  }
0x28d: {  	v7 =	vand.u32 $0x380, v63;
	v6 =	vand.u32 $0xFFFFE000, v6  }
0x28e: {  	v6 =	vor.u32 v6, v7  }
0x28f: {  	v5 =	vor.u32 v5, v6  }
0x290: {  	p4 =	sne.s32 s17, $0x3F0;
	v4 =	vor.u32 v61, v5;
	v3 =	vld.idx.msk [tilespmem:v3+s31+$0x0], vm15  }
.Ltmp28:
0x291: {  	_ = 	snop;
	(pc) =	sbr.rel @p4 .LBB2_22-.Ltmp28, $2  }
0x292: {  	_ =	sdelay $0x2  }
0x293: {  	s17 =	sadd.s32 $0x10, s17;
	[tilespmem:v4+s0+$0x0] =	vst.idx.msk vm15, v3  }
0x294: {  	s16 =	sshll.u32 s14, $0x1  }
0x295: {  	s16 =	sadd.s32 s7, s16  }
0x296: {  	s16 =	smul.u32 $0x28000, s16;
	_ =	sdelay $0x1  }
0x297: {  	s16 =	sadd.s32 s8, s16  }
0x298: {  	s16 =	sshrl.u32 s16, $0x3  }
0x299: {  	s17 =	sadd.s32 s2, s16;
	s16 =	simm.s32 $0x0  }
0x29a: {  	[hbm4b:s17+s16] =	stream.linear.scatter [tilespmem:s0], [sflag:$0x1], $0xA000, $0x38;
	[tilespmem:$0x1A500] =	vst v63  }
0x29b: {  	s17 =	sshllo.u32 s14, $0x1;
	_ =	swait.ge [sflag:s12], $0xA000  }
0x29c: {  	s21 =	sshll.u32 s17, $0xA;
	[sflag:s12] =	ssyncset.done $0x0  }
0x29d: {  	s15 =	sadd.s32 $0xFFFFFC00, s15;
	s22 =	sand.u32 $0x3FFFFC00, s21;
	[sflag:s12] =	ssyncadd.s32 $0xFFFF6000  }
.LBB2_24:
0x29e: {  	s21 =	sand.u32 $0x380, s16  }
0x29f: {  	s28 =	sand.u32 $0x70, s16;
	s29 =	sadd.s32 s21, s15  }
0x2a0: {  	s29 =	sadd.s32 s28, s29  }
0x2a1: {  	v3 =	vld [tilespmem:s29+$0x0];
	_ =	sdelay $0x4  }
0x2a2: {  	v4 =	vsub.s32 v3, v0  }
0x2a3: {  	v5 =	vmov s16;
	v3 =	vshll.u32 v3, $0x7;
	v6 =	vshll.u32 v4, $0xA  }
0x2a4: {  	v5 =	vshll.u32 v5, $0x3;
	v3 =	vand.u32 $0x380, v3;
	v6 =	vand.u32 $0xFFFFE000, v6  }
0x2a5: {  	v7 =	vor.u32 s16, v1;
	v5 =	vand.u32 $0x1C00, v5;
	v3 =	vor.u32 v6, v3  }
0x2a6: {  	v61 =	vand.u32 $0x7F, v7;
	vm0 =	vlt.u32 v4, $0x28;
	v3 =	vor.u32 v5, v3  }
0x2a7: {  	v3 =	vor.u32 v61, v3;
	_ =	sdelay $0x3  }
0x2a8: {  	s21 =	sadd.s32 s21, s22  }
0x2a9: {  	s21 =	sadd.s32 s28, s21;
	[tilespmem:v3+s4+$0x0] =	vst.idx.msk vm0, v2  }
0x2aa: {  	v3 =	vld [tilespmem:s21+$0x0];
	_ =	sdelay $0x4  }
0x2ab: {  	v62 =	vsub.s32 v3, v0  }
0x2ac: {  	vm15 =	vlt.u32 v62, $0x28;
	_ =	sdelay $0x1  }
0x2ad: {  	v63 =	vshll.u32 v3, $0x7;
	v6 =	vshll.u32 v62, $0xA  }
0x2ae: {  	v7 =	vand.u32 $0x380, v63;
	v6 =	vand.u32 $0xFFFFE000, v6  }
0x2af: {  	v6 =	vor.u32 v6, v7  }
0x2b0: {  	v5 =	vor.u32 v5, v6  }
0x2b1: {  	p4 =	sne.s32 s16, $0x3F0;
	v4 =	vor.u32 v61, v5;
	v3 =	vld.idx.msk [tilespmem:v3+s31+$0x0], vm15  }
.Ltmp29:
0x2b2: {  	_ = 	snop;
	(pc) =	sbr.rel @p4 .LBB2_24-.Ltmp29, $2  }
0x2b3: {  	_ =	sdelay $0x2  }
0x2b4: {  	s16 =	sadd.s32 $0x10, s16;
	[tilespmem:v4+s4+$0x0] =	vst.idx.msk vm15, v3  }
0x2b5: {  	s15 =	sadd.s32 s7, s17;
	s14 =	sadd.s32 $0x1, s14  }
0x2b6: {  	s15 =	smul.u32 $0x28000, s15;
	p4 =	sne.s32 s14, $0xC  }
.Ltmp30:
0x2b7: {  	_ = 	snop;
	(pc) =	sbr.rel @p4 .LBB2_21-.Ltmp30, $4  }
0x2b8: {  	s15 =	sadd.s32 s8, s15  }
0x2b9: {  	s15 =	sshrl.u32 s15, $0x3  }
0x2ba: {  	s15 =	sadd.s32 s2, s15  }
0x2bb: {  	[hbm4b:s15+s6] =	stream.linear.scatter [tilespmem:s4], [sflag:$0x2], $0xA000, $0x38;
	[tilespmem:$0x1A500] =	vst v63  }
0x2bc: {  	_ =	swait.ge [sflag:s11], $0xA000  }
0x2bd: {  	[sflag:s11] =	ssyncset.done $0x0  }
0x2be: {  	s14 =	simm.s32 $0x0;
	[sflag:s11] =	ssyncadd.s32 $0xFFFF6000  }
.LBB2_27:
0x2bf: {  	s15 =	sand.u32 $0x3F0, s14  }
0x2c0: {  	v3 =	vld [tilespmem:s15+$0x5800];
	_ =	sdelay $0x4  }
0x2c1: {  	v4 =	vsub.s32 v3, v0  }
0x2c2: {  	v5 =	vmov s14;
	v3 =	vshll.u32 v3, $0x7;
	v6 =	vshll.u32 v4, $0xA  }
0x2c3: {  	v5 =	vshll.u32 v5, $0x3;
	v3 =	vand.u32 $0x380, v3;
	v6 =	vand.u32 $0xFFFFE000, v6  }
0x2c4: {  	v7 =	vor.u32 s14, v1;
	v5 =	vand.u32 $0x1C00, v5;
	v3 =	vor.u32 v6, v3  }
0x2c5: {  	v61 =	vand.u32 $0x7F, v7;
	vm0 =	vlt.u32 v4, $0x28;
	v3 =	vor.u32 v5, v3  }
0x2c6: {  	v3 =	vor.u32 v61, v3;
	_ =	sdelay $0x4  }
0x2c7: {  	[tilespmem:v3+s0+$0x0] =	vst.idx.msk vm0, v2  }
0x2c8: {  	v3 =	vld [tilespmem:s15+$0x6000];
	_ =	sdelay $0x4  }
0x2c9: {  	v62 =	vsub.s32 v3, v0  }
0x2ca: {  	vm15 =	vlt.u32 v62, $0x28;
	_ =	sdelay $0x1  }
0x2cb: {  	v63 =	vshll.u32 v3, $0x7;
	v6 =	vshll.u32 v62, $0xA  }
0x2cc: {  	v7 =	vand.u32 $0x380, v63;
	v6 =	vand.u32 $0xFFFFE000, v6  }
0x2cd: {  	v6 =	vor.u32 v6, v7  }
0x2ce: {  	v5 =	vor.u32 v5, v6  }
0x2cf: {  	p4 =	seq.s32 s14, $0x3F0;
	v4 =	vor.u32 v61, v5;
	v3 =	vld.idx.msk [tilespmem:v3+s31+$0x0], vm15  }
.Ltmp31:
0x2d0: {  	_ = 	snop;
	(pc) =	sbr.rel @!p4 .LBB2_27-.Ltmp31, $2  }
0x2d1: {  	_ =	sdelay $0x2  }
0x2d2: {  	s14 =	sadd.s32 $0x10, s14;
	[tilespmem:v4+s0+$0x0] =	vst.idx.msk vm15, v3  }
.Ltmp32:
0x2d3: {  	(pc) =	sbr.rel .LBB2_56-.Ltmp32, $2  }
0x2d4: {  	_ =	sdelay $0x2  }
0x2d5: {  	s14 =	rddreg [dreg:$0xd]  }
.LBB2_58:
0x2d6: {  	_ =	sfence.sel $0x180000  }
0x2d7: {  	[bflag:$0x0] =	sbarrier.arrive $0xFFFF  }
0x2d8: {  	_ =	strace $0x90000047  }
0x2d9: {  	s0 =	stileid.u32;
	[bflag:$0x2] =	sbarrier.arrive $0xFFFF  }
0x2da: {  	p0 =	sne.s32 s0, $0x0;
	s0 =	rddreg [dreg:$0x5]  }
0x2db: {  	s0 =	sadd.s32 @!p0 $0x100000, s0  }
0x2dc: {  	[sflag:s0] =	ssyncadd.tile.s32 @!p0 $0x1;
	_ =	shalt  }
.Lfunc_end2:
_tile_overlayer_lowered:
.L_overlay_start_2:
0x2dd: {  	(tag) =	ssettag $0x2  }
0x2de: {  	s0 =	rddreg [dreg:$0x0];
	s2 =	stileid.u32  }
0x2df: {  	s1 =	rddreg [dreg:$0x1];
	p0 =	sne.s32 s2, $0x0  }
0x2e0: {  	s3 =	rddreg [dreg:$0x2];
	[bflag:$0x3] =	sbarrier.arrive $0xFFFF;
	s2 =	simm.s32 @!p0 $0x1C03  }
0x2e1: {  	[timem:s3], [sflag:s2] =	dma.local @!p0 [hbm:s0], s1  }
0x2e2: {  	s0 =	simm.s32 @!p0 $0x3  }
0x2e3: {  	_ =	swait.ge @!p0 [sflag:s0], s1  }
0x2e4: {  	s1 =	ssub.s32 @!p0 $0x0, s1;
	[sflag:s0] =	ssyncset.done @!p0 $0x0  }
0x2e5: {  	[sflag:s0] =	ssyncadd.s32 @!p0 s1  }
0x2e6: {  	[bflag:$0x3] =	sbarrier.arrive $0xFFFF  }
0x2e7: {  	_ =	shalt  }

</sc_bundles>
